<compile_context>
chip_gen: v7x
topology: tpu7x:2x2x1
jax: 0.10.2.dev20260603
libtpu: 0.0.44.dev20260713+nightly
codegen_flags: <defaults>
</compile_context>

<pallas_src>
import dataclasses
import functools

import jax
import jax.numpy as jnp
from jax import lax
from jax.experimental import pallas as pl
from jax.experimental.pallas import tpu as pltpu
from jax.experimental.pallas import tpu_sc as plsc

UNROLL = 16
NBUF = 4


def _gather_rows(B, C, N, M):
  info = plsc.get_sparse_core_info()
  NC, NS = info.num_cores, info.num_subcores
  NW = NC * NS
  ROWS = B * C
  assert ROWS % NW == 0
  RPW = ROWS // NW
  assert (C % RPW == 0) or (RPW % C == 0)
  assert RPW % NBUF == 0 and M % (16 * UNROLL) == 0

  mesh = plsc.VectorSubcoreMesh(core_axis_name="c", subcore_axis_name="s")

  cp = pltpu.CompilerParams()
  if "needs_layout_passes" in pltpu.CompilerParams.__dataclass_fields__:
    cp = dataclasses.replace(cp, needs_layout_passes=False)

  @functools.partial(
      pl.kernel,
      compiler_params=cp,
      out_type=jax.ShapeDtypeStruct((ROWS, M), jnp.float32),
      mesh=mesh,
      scratch_types=(
          [pltpu.VMEM((M,), jnp.int32)]
          + [pltpu.VMEM((N,), jnp.float32)] * NBUF
          + [pltpu.VMEM((M,), jnp.float32)] * NBUF
          + [pltpu.SemaphoreType.DMA((NBUF,)),
             pltpu.SemaphoreType.DMA((NBUF,))]
      ),
  )
  def k(f_hbm, i_hbm, o_hbm, idx_v, *bufs):
    rows = list(bufs[:NBUF])
    outs = list(bufs[NBUF:2 * NBUF])
    sem_r, sem_o = bufs[2 * NBUF], bufs[2 * NBUF + 1]

    wid = lax.axis_index("s") * NC + lax.axis_index("c")
    r0 = wid * RPW
    b = r0 // C

    pltpu.sync_copy(i_hbm.at[b], idx_v)

    for p in range(NBUF):
      pltpu.async_copy(f_hbm.at[r0 + p], rows[p], sem_r.at[p])

    @pl.loop(0, RPW, step=NBUF)
    def _(g):
      for p in range(NBUF):
        r = g + p
        pltpu.make_async_copy(f_hbm.at[r0 + r], rows[p], sem_r.at[p]).wait()

        @pl.when(r >= NBUF)
        def _():
          pltpu.make_async_copy(outs[p], o_hbm.at[r0 + r - NBUF],
                                sem_o.at[p]).wait()

        @plsc.parallel_loop(0, M, step=16, unroll=UNROLL)
        def _(j):
          s = pl.ds(j, 16)
          outs[p][s] = plsc.load_gather(rows[p], [idx_v[s]])

        pltpu.async_copy(outs[p], o_hbm.at[r0 + r], sem_o.at[p])

        @pl.when(r + NBUF < RPW)
        def _():
          pltpu.async_copy(f_hbm.at[r0 + r + NBUF], rows[p], sem_r.at[p])

    for p in range(NBUF):
      pltpu.make_async_copy(outs[p], o_hbm.at[r0 + RPW - NBUF + p],
                            sem_o.at[p]).wait()

  return k


@jax.jit
def kernel(features, indices):
  B, C, N = features.shape
  M = indices.shape[1]
  k = _gather_rows(B, C, N, M)
  out = k(features.reshape(B * C, N), indices)
  return out.reshape(B, C, M)

# --- scband reference (transcript-rebuilt; emitter-appended) ---
"""Pipeline reference for scband-gather-points-4535485464748 (READ-ONLY COPY).

The authoritative reference and input builder live on the scoring server;
editing this copy changes nothing except your own understanding.
"""

import jax, jax.numpy as jnp
import numpy as np

B, C, N, M = 8, 256, 16384, 4096

def setup_inputs(seed: int = 0) -> dict:
    key = jax.random.key(seed)
    k1, k2 = jax.random.split(key)
    features = jax.random.normal(k1, (B, C, N), dtype=jnp.float32)
    indices = jax.random.randint(k2, (B, M), 0, N, dtype=jnp.int32)
    return {"features": features, "indices": indices}

def reference(features, indices):
    # GatherPoints: out[b, c, m] = features[b, c, indices[b, m]]
    b, c, n = features.shape
    m = indices.shape[1]
    idx = jnp.broadcast_to(indices[:, None, :], (b, c, m))
    gathered = jnp.take_along_axis(features, idx, axis=2)
    return gathered

if __name__ == "__main__":
    import jax
    _d = setup_inputs()
    print(jax.jit(kernel)(*tuple(_d.values())))

</pallas_src>

<mosaic_0001>
#map = affine_map<(d0, d1) -> (0, 0)>
module attributes {stable_mosaic.version = 14 : i64} {
  func.func @k(%arg0: i32, %arg1: i32, %arg2: memref<2048x16384xf32, #tpu.memory_space<hbm>>, %arg3: memref<8x4096xi32, #tpu.memory_space<hbm>>, %arg4: memref<2048x4096xf32, #tpu.memory_space<hbm>>, %arg5: memref<4096xi32, #tpu.memory_space<vmem>>, %arg6: memref<16384xf32, #tpu.memory_space<vmem>>, %arg7: memref<16384xf32, #tpu.memory_space<vmem>>, %arg8: memref<16384xf32, #tpu.memory_space<vmem>>, %arg9: memref<16384xf32, #tpu.memory_space<vmem>>, %arg10: memref<4096xf32, #tpu.memory_space<vmem>>, %arg11: memref<4096xf32, #tpu.memory_space<vmem>>, %arg12: memref<4096xf32, #tpu.memory_space<vmem>>, %arg13: memref<4096xf32, #tpu.memory_space<vmem>>, %arg14: memref<4x!tpu.dma_semaphore, #tpu.memory_space<semaphore_mem>>, %arg15: memref<4x!tpu.dma_semaphore, #tpu.memory_space<semaphore_mem>>) attributes {dimension_semantics = [#tpu.dimension_semantics<core_parallel>, #tpu.dimension_semantics<subcore_parallel>], iteration_bounds = array<i64: 2, 16>, scalar_prefetch = 0 : i64, scratch_operands = 11 : i64, tpu.core_type = #tpu.core_type<sc_vector_subcore>, window_params = [{transform_indices = #map}, {transform_indices = #map}, {transform_indices = #map}]} {
    %mul3A = arith.constant 2 : i32
    %mul3A_0 = arith.muli %arg1, %mul3A : i32
    %add3A = arith.addi %mul3A_0, %arg0 : i32
    %mul3A_1 = arith.constant 64 : i32
    %mul3A_2 = arith.muli %add3A, %mul3A_1 : i32
    %jit3A = arith.constant 256 : i32
    %div3A = arith.divsi %mul3A_2, %jit3A : i32
    %sign3A = arith.constant 0 : i32
    %sign3A_3 = arith.cmpi sgt, %mul3A_2, %sign3A : i32
    %sign3A_4 = arith.extui %sign3A_3 : i1 to i32
    %sign3A_5 = arith.constant 0 : i32
    %sign3A_6 = arith.cmpi slt, %mul3A_2, %sign3A_5 : i32
    %sign3A_7 = arith.extui %sign3A_6 : i1 to i32
    %sign3A_8 = arith.subi %sign3A_4, %sign3A_7 : i32
    %sign3A_9 = arith.constant 0 : i32
    %sign3A_10 = arith.cmpi sgt, %jit3A, %sign3A_9 : i32
    %sign3A_11 = arith.extui %sign3A_10 : i1 to i32
    %sign3A_12 = arith.constant 0 : i32
    %sign3A_13 = arith.cmpi slt, %jit3A, %sign3A_12 : i32
    %sign3A_14 = arith.extui %sign3A_13 : i1 to i32
    %sign3A_15 = arith.subi %sign3A_11, %sign3A_14 : i32
    %ne3A = arith.cmpi ne, %sign3A_8, %sign3A_15 : i32
    %rem3A = arith.remsi %mul3A_2, %jit3A : i32
    %ne3A_16 = arith.constant 0 : i32
    %ne3A_17 = arith.cmpi ne, %rem3A, %ne3A_16 : i32
    %and3A = arith.andi %ne3A, %ne3A_17 : i1
    %sub3A = arith.constant 1 : i32
    %sub3A_18 = arith.subi %div3A, %sub3A : i32
    %select_n3A = arith.select %and3A, %sub3A_18, %div3A : i32
    "tpu.region"() ({
      %run_scoped3A = tpu.sem_alloc : memref<!tpu.dma_semaphore, #tpu.memory_space<semaphore_mem>>
      %dma_start3A_125 = arith.constant 0 : i32
      %dma_start3A_126 = tpu.memref_slice %arg3[%select_n3A, %dma_start3A_125] : memref<8x4096xi32, #tpu.memory_space<hbm>> -> memref<1x4096xi32, #tpu.memory_space<hbm>>
      %dma_start3A_127 = tpu.memref_squeeze %dma_start3A_126 : memref<1x4096xi32, #tpu.memory_space<hbm>> -> memref<4096xi32, #tpu.memory_space<hbm>>
      %dma_start3A_128 = arith.constant 0 : i32
      %dma_start3A_129 = tpu.memref_slice %arg3[%select_n3A, %dma_start3A_128] : memref<8x4096xi32, #tpu.memory_space<hbm>> -> memref<1x4096xi32, #tpu.memory_space<hbm>>
      %dma_start3A_130 = tpu.memref_squeeze %dma_start3A_129 : memref<1x4096xi32, #tpu.memory_space<hbm>> -> memref<4096xi32, #tpu.memory_space<hbm>>
      tpu.enqueue_dma source(%dma_start3A_130 : memref<4096xi32, #tpu.memory_space<hbm>>) target(%arg5 : memref<4096xi32, #tpu.memory_space<vmem>>) target_semaphore(%run_scoped3A : memref<!tpu.dma_semaphore, #tpu.memory_space<semaphore_mem>>)
      %dma_wait3A_131 = arith.constant 0 : i32
      %dma_wait3A_132 = tpu.memref_slice %arg3[%select_n3A, %dma_wait3A_131] : memref<8x4096xi32, #tpu.memory_space<hbm>> -> memref<1x4096xi32, #tpu.memory_space<hbm>>
      %dma_wait3A_133 = tpu.memref_squeeze %dma_wait3A_132 : memref<1x4096xi32, #tpu.memory_space<hbm>> -> memref<4096xi32, #tpu.memory_space<hbm>>
      %dma_wait3A_134 = arith.constant 0 : i32
      %dma_wait3A_135 = tpu.memref_slice %arg3[%select_n3A, %dma_wait3A_134] : memref<8x4096xi32, #tpu.memory_space<hbm>> -> memref<1x4096xi32, #tpu.memory_space<hbm>>
      %dma_wait3A_136 = tpu.memref_squeeze %dma_wait3A_135 : memref<1x4096xi32, #tpu.memory_space<hbm>> -> memref<4096xi32, #tpu.memory_space<hbm>>
      tpu.wait_dma2 semaphore(%run_scoped3A : memref<!tpu.dma_semaphore, #tpu.memory_space<semaphore_mem>>) src(%dma_wait3A_136 : memref<4096xi32, #tpu.memory_space<hbm>>) dst(%arg5 : memref<4096xi32, #tpu.memory_space<vmem>>)
      tpu.yield
    }) : () -> ()
    %add3A_19 = arith.constant 0 : i32
    %add3A_20 = arith.addi %mul3A_2, %add3A_19 : i32
    %dma_start3A = arith.constant 0 : i32
    %dma_start3A_21 = arith.constant 0 : i32
    %dma_start3A_22 = tpu.memref_slice %arg2[%add3A_20, %dma_start3A_21] : memref<2048x16384xf32, #tpu.memory_space<hbm>> -> memref<1x16384xf32, #tpu.memory_space<hbm>>
    %dma_start3A_23 = tpu.memref_squeeze %dma_start3A_22 : memref<1x16384xf32, #tpu.memory_space<hbm>> -> memref<16384xf32, #tpu.memory_space<hbm>>
    %dma_start3A_24 = tpu.memref_slice %arg14[%dma_start3A] : memref<4x!tpu.dma_semaphore, #tpu.memory_space<semaphore_mem>> -> memref<1x!tpu.dma_semaphore, #tpu.memory_space<semaphore_mem>>
    %dma_start3A_25 = tpu.memref_squeeze %dma_start3A_24 : memref<1x!tpu.dma_semaphore, #tpu.memory_space<semaphore_mem>> -> memref<!tpu.dma_semaphore, #tpu.memory_space<semaphore_mem>>
    %dma_start3A_26 = arith.constant 0 : i32
    %dma_start3A_27 = tpu.memref_slice %arg2[%add3A_20, %dma_start3A_26] : memref<2048x16384xf32, #tpu.memory_space<hbm>> -> memref<1x16384xf32, #tpu.memory_space<hbm>>
    %dma_start3A_28 = tpu.memref_squeeze %dma_start3A_27 : memref<1x16384xf32, #tpu.memory_space<hbm>> -> memref<16384xf32, #tpu.memory_space<hbm>>
    tpu.enqueue_dma source(%dma_start3A_28 : memref<16384xf32, #tpu.memory_space<hbm>>) target(%arg6 : memref<16384xf32, #tpu.memory_space<vmem>>) target_semaphore(%dma_start3A_25 : memref<!tpu.dma_semaphore, #tpu.memory_space<semaphore_mem>>)
    %add3A_29 = arith.constant 1 : i32
    %add3A_30 = arith.addi %mul3A_2, %add3A_29 : i32
    %dma_start3A_31 = arith.constant 1 : i32
    %dma_start3A_32 = arith.constant 0 : i32
    %dma_start3A_33 = tpu.memref_slice %arg2[%add3A_30, %dma_start3A_32] : memref<2048x16384xf32, #tpu.memory_space<hbm>> -> memref<1x16384xf32, #tpu.memory_space<hbm>>
    %dma_start3A_34 = tpu.memref_squeeze %dma_start3A_33 : memref<1x16384xf32, #tpu.memory_space<hbm>> -> memref<16384xf32, #tpu.memory_space<hbm>>
    %dma_start3A_35 = tpu.memref_slice %arg14[%dma_start3A_31] : memref<4x!tpu.dma_semaphore, #tpu.memory_space<semaphore_mem>> -> memref<1x!tpu.dma_semaphore, #tpu.memory_space<semaphore_mem>>
    %dma_start3A_36 = tpu.memref_squeeze %dma_start3A_35 : memref<1x!tpu.dma_semaphore, #tpu.memory_space<semaphore_mem>> -> memref<!tpu.dma_semaphore, #tpu.memory_space<semaphore_mem>>
    %dma_start3A_37 = arith.constant 0 : i32
    %dma_start3A_38 = tpu.memref_slice %arg2[%add3A_30, %dma_start3A_37] : memref<2048x16384xf32, #tpu.memory_space<hbm>> -> memref<1x16384xf32, #tpu.memory_space<hbm>>
    %dma_start3A_39 = tpu.memref_squeeze %dma_start3A_38 : memref<1x16384xf32, #tpu.memory_space<hbm>> -> memref<16384xf32, #tpu.memory_space<hbm>>
    tpu.enqueue_dma source(%dma_start3A_39 : memref<16384xf32, #tpu.memory_space<hbm>>) target(%arg7 : memref<16384xf32, #tpu.memory_space<vmem>>) target_semaphore(%dma_start3A_36 : memref<!tpu.dma_semaphore, #tpu.memory_space<semaphore_mem>>)
    %add3A_40 = arith.constant 2 : i32
    %add3A_41 = arith.addi %mul3A_2, %add3A_40 : i32
    %dma_start3A_42 = arith.constant 2 : i32
    %dma_start3A_43 = arith.constant 0 : i32
    %dma_start3A_44 = tpu.memref_slice %arg2[%add3A_41, %dma_start3A_43] : memref<2048x16384xf32, #tpu.memory_space<hbm>> -> memref<1x16384xf32, #tpu.memory_space<hbm>>
    %dma_start3A_45 = tpu.memref_squeeze %dma_start3A_44 : memref<1x16384xf32, #tpu.memory_space<hbm>> -> memref<16384xf32, #tpu.memory_space<hbm>>
    %dma_start3A_46 = tpu.memref_slice %arg14[%dma_start3A_42] : memref<4x!tpu.dma_semaphore, #tpu.memory_space<semaphore_mem>> -> memref<1x!tpu.dma_semaphore, #tpu.memory_space<semaphore_mem>>
    %dma_start3A_47 = tpu.memref_squeeze %dma_start3A_46 : memref<1x!tpu.dma_semaphore, #tpu.memory_space<semaphore_mem>> -> memref<!tpu.dma_semaphore, #tpu.memory_space<semaphore_mem>>
    %dma_start3A_48 = arith.constant 0 : i32
    %dma_start3A_49 = tpu.memref_slice %arg2[%add3A_41, %dma_start3A_48] : memref<2048x16384xf32, #tpu.memory_space<hbm>> -> memref<1x16384xf32, #tpu.memory_space<hbm>>
    %dma_start3A_50 = tpu.memref_squeeze %dma_start3A_49 : memref<1x16384xf32, #tpu.memory_space<hbm>> -> memref<16384xf32, #tpu.memory_space<hbm>>
    tpu.enqueue_dma source(%dma_start3A_50 : memref<16384xf32, #tpu.memory_space<hbm>>) target(%arg8 : memref<16384xf32, #tpu.memory_space<vmem>>) target_semaphore(%dma_start3A_47 : memref<!tpu.dma_semaphore, #tpu.memory_space<semaphore_mem>>)
    %add3A_51 = arith.constant 3 : i32
    %add3A_52 = arith.addi %mul3A_2, %add3A_51 : i32
    %dma_start3A_53 = arith.constant 3 : i32
    %dma_start3A_54 = arith.constant 0 : i32
    %dma_start3A_55 = tpu.memref_slice %arg2[%add3A_52, %dma_start3A_54] : memref<2048x16384xf32, #tpu.memory_space<hbm>> -> memref<1x16384xf32, #tpu.memory_space<hbm>>
    %dma_start3A_56 = tpu.memref_squeeze %dma_start3A_55 : memref<1x16384xf32, #tpu.memory_space<hbm>> -> memref<16384xf32, #tpu.memory_space<hbm>>
    %dma_start3A_57 = tpu.memref_slice %arg14[%dma_start3A_53] : memref<4x!tpu.dma_semaphore, #tpu.memory_space<semaphore_mem>> -> memref<1x!tpu.dma_semaphore, #tpu.memory_space<semaphore_mem>>
    %dma_start3A_58 = tpu.memref_squeeze %dma_start3A_57 : memref<1x!tpu.dma_semaphore, #tpu.memory_space<semaphore_mem>> -> memref<!tpu.dma_semaphore, #tpu.memory_space<semaphore_mem>>
    %dma_start3A_59 = arith.constant 0 : i32
    %dma_start3A_60 = tpu.memref_slice %arg2[%add3A_52, %dma_start3A_59] : memref<2048x16384xf32, #tpu.memory_space<hbm>> -> memref<1x16384xf32, #tpu.memory_space<hbm>>
    %dma_start3A_61 = tpu.memref_squeeze %dma_start3A_60 : memref<1x16384xf32, #tpu.memory_space<hbm>> -> memref<16384xf32, #tpu.memory_space<hbm>>
    tpu.enqueue_dma source(%dma_start3A_61 : memref<16384xf32, #tpu.memory_space<hbm>>) target(%arg9 : memref<16384xf32, #tpu.memory_space<vmem>>) target_semaphore(%dma_start3A_58 : memref<!tpu.dma_semaphore, #tpu.memory_space<semaphore_mem>>)
    %scan3A = arith.constant 0 : i32
    %scan3A_62 = arith.constant 16 : i32
    %scan3A_63 = arith.addi %scan3A, %scan3A_62 : i32
    %scan3A_64 = arith.constant 1 : i32
    scf.for %scan3A_125 = %scan3A to %scan3A_63 step %scan3A_64  : i32 {
      %mul3A_126 = arith.constant 4 : i32
      %mul3A_127 = arith.muli %scan3A_125, %mul3A_126 : i32
      %add3A_128 = arith.constant 0 : i32
      %add3A_129 = arith.addi %add3A_128, %mul3A_127 : i32
      %add3A_130 = arith.constant 0 : i32
      %add3A_131 = arith.addi %add3A_129, %add3A_130 : i32
      %add3A_132 = arith.addi %mul3A_2, %add3A_131 : i32
      %dma_wait3A_133 = arith.constant 0 : i32
      %dma_wait3A_134 = arith.constant 0 : i32
      %dma_wait3A_135 = tpu.memref_slice %arg2[%add3A_132, %dma_wait3A_134] : memref<2048x16384xf32, #tpu.memory_space<hbm>> -> memref<1x16384xf32, #tpu.memory_space<hbm>>
      %dma_wait3A_136 = tpu.memref_squeeze %dma_wait3A_135 : memref<1x16384xf32, #tpu.memory_space<hbm>> -> memref<16384xf32, #tpu.memory_space<hbm>>
      %dma_wait3A_137 = tpu.memref_slice %arg14[%dma_wait3A_133] : memref<4x!tpu.dma_semaphore, #tpu.memory_space<semaphore_mem>> -> memref<1x!tpu.dma_semaphore, #tpu.memory_space<semaphore_mem>>
      %dma_wait3A_138 = tpu.memref_squeeze %dma_wait3A_137 : memref<1x!tpu.dma_semaphore, #tpu.memory_space<semaphore_mem>> -> memref<!tpu.dma_semaphore, #tpu.memory_space<semaphore_mem>>
      %dma_wait3A_139 = arith.constant 0 : i32
      %dma_wait3A_140 = tpu.memref_slice %arg2[%add3A_132, %dma_wait3A_139] : memref<2048x16384xf32, #tpu.memory_space<hbm>> -> memref<1x16384xf32, #tpu.memory_space<hbm>>
      %dma_wait3A_141 = tpu.memref_squeeze %dma_wait3A_140 : memref<1x16384xf32, #tpu.memory_space<hbm>> -> memref<16384xf32, #tpu.memory_space<hbm>>
      tpu.wait_dma2 semaphore(%dma_wait3A_138 : memref<!tpu.dma_semaphore, #tpu.memory_space<semaphore_mem>>) src(%dma_wait3A_141 : memref<16384xf32, #tpu.memory_space<hbm>>) dst(%arg6 : memref<16384xf32, #tpu.memory_space<vmem>>)
      %ge3A = arith.constant 4 : i32
      %ge3A_142 = arith.cmpi sge, %add3A_131, %ge3A : i32
      %convert_element_type3A = arith.extui %ge3A_142 : i1 to i32
      %cond3A = arith.constant 0 : i32
      %cond3A_143 = arith.cmpi ne, %convert_element_type3A, %cond3A : i32
      scf.if %cond3A_143 {
        %add3A_273 = arith.addi %mul3A_2, %add3A_131 : i32
        %sub3A_274 = arith.constant 4 : i32
        %sub3A_275 = arith.subi %add3A_273, %sub3A_274 : i32
        %dma_wait3A_276 = arith.constant 0 : i32
        %dma_wait3A_277 = arith.constant 0 : i32
        %dma_wait3A_278 = tpu.memref_slice %arg4[%sub3A_275, %dma_wait3A_277] : memref<2048x4096xf32, #tpu.memory_space<hbm>> -> memref<1x4096xf32, #tpu.memory_space<hbm>>
        %dma_wait3A_279 = tpu.memref_squeeze %dma_wait3A_278 : memref<1x4096xf32, #tpu.memory_space<hbm>> -> memref<4096xf32, #tpu.memory_space<hbm>>
        %dma_wait3A_280 = tpu.memref_slice %arg15[%dma_wait3A_276] : memref<4x!tpu.dma_semaphore, #tpu.memory_space<semaphore_mem>> -> memref<1x!tpu.dma_semaphore, #tpu.memory_space<semaphore_mem>>
        %dma_wait3A_281 = tpu.memref_squeeze %dma_wait3A_280 : memref<1x!tpu.dma_semaphore, #tpu.memory_space<semaphore_mem>> -> memref<!tpu.dma_semaphore, #tpu.memory_space<semaphore_mem>>
        %dma_wait3A_282 = arith.constant 0 : i32
        %dma_wait3A_283 = tpu.memref_slice %arg4[%sub3A_275, %dma_wait3A_282] : memref<2048x4096xf32, #tpu.memory_space<hbm>> -> memref<1x4096xf32, #tpu.memory_space<hbm>>
        %dma_wait3A_284 = tpu.memref_squeeze %dma_wait3A_283 : memref<1x4096xf32, #tpu.memory_space<hbm>> -> memref<4096xf32, #tpu.memory_space<hbm>>
        tpu.wait_dma2 semaphore(%dma_wait3A_281 : memref<!tpu.dma_semaphore, #tpu.memory_space<semaphore_mem>>) src(%arg10 : memref<4096xf32, #tpu.memory_space<vmem>>) dst(%dma_wait3A_284 : memref<4096xf32, #tpu.memory_space<hbm>>)
      } else {
      }
      %parallel_loop3A = arith.constant 0 : i32
      %parallel_loop3A_144 = arith.constant 4096 : i32
      %parallel_loop3A_145 = arith.constant 16 : i32
      scf.for %parallel_loop3A_273 = %parallel_loop3A to %parallel_loop3A_144 step %parallel_loop3A_145  : i32 {
        %parallel_loop3A_274 = arith.index_cast %parallel_loop3A_273 : i32 to index
        %parallel_loop3A_275 = tpu.vector_load %arg5[%parallel_loop3A_274] {strides = array<i32>} : memref<4096xi32, #tpu.memory_space<vmem>>, vector<16xi32>,
        %parallel_loop3A_276 = tpu.vector_load_idx %arg6[%parallel_loop3A_275] : memref<16384xf32, #tpu.memory_space<vmem>>[vector<16xi32>], vector<16xf32>,
        %parallel_loop3A_277 = arith.index_cast %parallel_loop3A_273 : i32 to index
        %parallel_loop3A_278 = tpu.vector_load %arg10[%parallel_loop3A_277] {strides = array<i32>} : memref<4096xf32, #tpu.memory_space<vmem>>, vector<16xf32>,
        tpu.vector_store %arg10[%parallel_loop3A_277], %parallel_loop3A_276 {strides = array<i32>} : memref<4096xf32, #tpu.memory_space<vmem>>, vector<16xf32>,
      } {sc.loop_unroll_factor = 16 : i64, sc.parallel_access}
      %add3A_146 = arith.addi %mul3A_2, %add3A_131 : i32
      %dma_start3A_147 = arith.constant 0 : i32
      %dma_start3A_148 = arith.constant 0 : i32
      %dma_start3A_149 = tpu.memref_slice %arg4[%add3A_146, %dma_start3A_148] : memref<2048x4096xf32, #tpu.memory_space<hbm>> -> memref<1x4096xf32, #tpu.memory_space<hbm>>
      %dma_start3A_150 = tpu.memref_squeeze %dma_start3A_149 : memref<1x4096xf32, #tpu.memory_space<hbm>> -> memref<4096xf32, #tpu.memory_space<hbm>>
      %dma_start3A_151 = tpu.memref_slice %arg15[%dma_start3A_147] : memref<4x!tpu.dma_semaphore, #tpu.memory_space<semaphore_mem>> -> memref<1x!tpu.dma_semaphore, #tpu.memory_space<semaphore_mem>>
      %dma_start3A_152 = tpu.memref_squeeze %dma_start3A_151 : memref<1x!tpu.dma_semaphore, #tpu.memory_space<semaphore_mem>> -> memref<!tpu.dma_semaphore, #tpu.memory_space<semaphore_mem>>
      %dma_start3A_153 = arith.constant 0 : i32
      %dma_start3A_154 = tpu.memref_slice %arg4[%add3A_146, %dma_start3A_153] : memref<2048x4096xf32, #tpu.memory_space<hbm>> -> memref<1x4096xf32, #tpu.memory_space<hbm>>
      %dma_start3A_155 = tpu.memref_squeeze %dma_start3A_154 : memref<1x4096xf32, #tpu.memory_space<hbm>> -> memref<4096xf32, #tpu.memory_space<hbm>>
      tpu.enqueue_dma source(%arg10 : memref<4096xf32, #tpu.memory_space<vmem>>) target(%dma_start3A_155 : memref<4096xf32, #tpu.memory_space<hbm>>) target_semaphore(%dma_start3A_152 : memref<!tpu.dma_semaphore, #tpu.memory_space<semaphore_mem>>)
      %add3A_156 = arith.constant 4 : i32
      %add3A_157 = arith.addi %add3A_131, %add3A_156 : i32
      %lt3A = arith.constant 64 : i32
      %lt3A_158 = arith.cmpi slt, %add3A_157, %lt3A : i32
      %convert_element_type3A_159 = arith.extui %lt3A_158 : i1 to i32
      %cond3A_160 = arith.constant 0 : i32
      %cond3A_161 = arith.cmpi ne, %convert_element_type3A_159, %cond3A_160 : i32
      scf.if %cond3A_161 {
        %add3A_273 = arith.addi %mul3A_2, %add3A_131 : i32
        %add3A_274 = arith.constant 4 : i32
        %add3A_275 = arith.addi %add3A_273, %add3A_274 : i32
        %dma_start3A_276 = arith.constant 0 : i32
        %dma_start3A_277 = arith.constant 0 : i32
        %dma_start3A_278 = tpu.memref_slice %arg2[%add3A_275, %dma_start3A_277] : memref<2048x16384xf32, #tpu.memory_space<hbm>> -> memref<1x16384xf32, #tpu.memory_space<hbm>>
        %dma_start3A_279 = tpu.memref_squeeze %dma_start3A_278 : memref<1x16384xf32, #tpu.memory_space<hbm>> -> memref<16384xf32, #tpu.memory_space<hbm>>
        %dma_start3A_280 = tpu.memref_slice %arg14[%dma_start3A_276] : memref<4x!tpu.dma_semaphore, #tpu.memory_space<semaphore_mem>> -> memref<1x!tpu.dma_semaphore, #tpu.memory_space<semaphore_mem>>
        %dma_start3A_281 = tpu.memref_squeeze %dma_start3A_280 : memref<1x!tpu.dma_semaphore, #tpu.memory_space<semaphore_mem>> -> memref<!tpu.dma_semaphore, #tpu.memory_space<semaphore_mem>>
        %dma_start3A_282 = arith.constant 0 : i32
        %dma_start3A_283 = tpu.memref_slice %arg2[%add3A_275, %dma_start3A_282] : memref<2048x16384xf32, #tpu.memory_space<hbm>> -> memref<1x16384xf32, #tpu.memory_space<hbm>>
        %dma_start3A_284 = tpu.memref_squeeze %dma_start3A_283 : memref<1x16384xf32, #tpu.memory_space<hbm>> -> memref<16384xf32, #tpu.memory_space<hbm>>
        tpu.enqueue_dma source(%dma_start3A_284 : memref<16384xf32, #tpu.memory_space<hbm>>) target(%arg6 : memref<16384xf32, #tpu.memory_space<vmem>>) target_semaphore(%dma_start3A_281 : memref<!tpu.dma_semaphore, #tpu.memory_space<semaphore_mem>>)
      } else {
      }
      %add3A_162 = arith.constant 1 : i32
      %add3A_163 = arith.addi %add3A_129, %add3A_162 : i32
      %add3A_164 = arith.addi %mul3A_2, %add3A_163 : i32
      %dma_wait3A_165 = arith.constant 1 : i32
      %dma_wait3A_166 = arith.constant 0 : i32
      %dma_wait3A_167 = tpu.memref_slice %arg2[%add3A_164, %dma_wait3A_166] : memref<2048x16384xf32, #tpu.memory_space<hbm>> -> memref<1x16384xf32, #tpu.memory_space<hbm>>
      %dma_wait3A_168 = tpu.memref_squeeze %dma_wait3A_167 : memref<1x16384xf32, #tpu.memory_space<hbm>> -> memref<16384xf32, #tpu.memory_space<hbm>>
      %dma_wait3A_169 = tpu.memref_slice %arg14[%dma_wait3A_165] : memref<4x!tpu.dma_semaphore, #tpu.memory_space<semaphore_mem>> -> memref<1x!tpu.dma_semaphore, #tpu.memory_space<semaphore_mem>>
      %dma_wait3A_170 = tpu.memref_squeeze %dma_wait3A_169 : memref<1x!tpu.dma_semaphore, #tpu.memory_space<semaphore_mem>> -> memref<!tpu.dma_semaphore, #tpu.memory_space<semaphore_mem>>
      %dma_wait3A_171 = arith.constant 0 : i32
      %dma_wait3A_172 = tpu.memref_slice %arg2[%add3A_164, %dma_wait3A_171] : memref<2048x16384xf32, #tpu.memory_space<hbm>> -> memref<1x16384xf32, #tpu.memory_space<hbm>>
      %dma_wait3A_173 = tpu.memref_squeeze %dma_wait3A_172 : memref<1x16384xf32, #tpu.memory_space<hbm>> -> memref<16384xf32, #tpu.memory_space<hbm>>
      tpu.wait_dma2 semaphore(%dma_wait3A_170 : memref<!tpu.dma_semaphore, #tpu.memory_space<semaphore_mem>>) src(%dma_wait3A_173 : memref<16384xf32, #tpu.memory_space<hbm>>) dst(%arg7 : memref<16384xf32, #tpu.memory_space<vmem>>)
      %ge3A_174 = arith.constant 4 : i32
      %ge3A_175 = arith.cmpi sge, %add3A_163, %ge3A_174 : i32
      %convert_element_type3A_176 = arith.extui %ge3A_175 : i1 to i32
      %cond3A_177 = arith.constant 0 : i32
      %cond3A_178 = arith.cmpi ne, %convert_element_type3A_176, %cond3A_177 : i32
      scf.if %cond3A_178 {
        %add3A_273 = arith.addi %mul3A_2, %add3A_163 : i32
        %sub3A_274 = arith.constant 4 : i32
        %sub3A_275 = arith.subi %add3A_273, %sub3A_274 : i32
        %dma_wait3A_276 = arith.constant 1 : i32
        %dma_wait3A_277 = arith.constant 0 : i32
        %dma_wait3A_278 = tpu.memref_slice %arg4[%sub3A_275, %dma_wait3A_277] : memref<2048x4096xf32, #tpu.memory_space<hbm>> -> memref<1x4096xf32, #tpu.memory_space<hbm>>
        %dma_wait3A_279 = tpu.memref_squeeze %dma_wait3A_278 : memref<1x4096xf32, #tpu.memory_space<hbm>> -> memref<4096xf32, #tpu.memory_space<hbm>>
        %dma_wait3A_280 = tpu.memref_slice %arg15[%dma_wait3A_276] : memref<4x!tpu.dma_semaphore, #tpu.memory_space<semaphore_mem>> -> memref<1x!tpu.dma_semaphore, #tpu.memory_space<semaphore_mem>>
        %dma_wait3A_281 = tpu.memref_squeeze %dma_wait3A_280 : memref<1x!tpu.dma_semaphore, #tpu.memory_space<semaphore_mem>> -> memref<!tpu.dma_semaphore, #tpu.memory_space<semaphore_mem>>
        %dma_wait3A_282 = arith.constant 0 : i32
        %dma_wait3A_283 = tpu.memref_slice %arg4[%sub3A_275, %dma_wait3A_282] : memref<2048x4096xf32, #tpu.memory_space<hbm>> -> memref<1x4096xf32, #tpu.memory_space<hbm>>
        %dma_wait3A_284 = tpu.memref_squeeze %dma_wait3A_283 : memref<1x4096xf32, #tpu.memory_space<hbm>> -> memref<4096xf32, #tpu.memory_space<hbm>>
        tpu.wait_dma2 semaphore(%dma_wait3A_281 : memref<!tpu.dma_semaphore, #tpu.memory_space<semaphore_mem>>) src(%arg11 : memref<4096xf32, #tpu.memory_space<vmem>>) dst(%dma_wait3A_284 : memref<4096xf32, #tpu.memory_space<hbm>>)
      } else {
      }
      %parallel_loop3A_179 = arith.constant 0 : i32
      %parallel_loop3A_180 = arith.constant 4096 : i32
      %parallel_loop3A_181 = arith.constant 16 : i32
      scf.for %parallel_loop3A_273 = %parallel_loop3A_179 to %parallel_loop3A_180 step %parallel_loop3A_181  : i32 {
        %parallel_loop3A_274 = arith.index_cast %parallel_loop3A_273 : i32 to index
        %parallel_loop3A_275 = tpu.vector_load %arg5[%parallel_loop3A_274] {strides = array<i32>} : memref<4096xi32, #tpu.memory_space<vmem>>, vector<16xi32>,
        %parallel_loop3A_276 = tpu.vector_load_idx %arg7[%parallel_loop3A_275] : memref<16384xf32, #tpu.memory_space<vmem>>[vector<16xi32>], vector<16xf32>,
        %parallel_loop3A_277 = arith.index_cast %parallel_loop3A_273 : i32 to index
        %parallel_loop3A_278 = tpu.vector_load %arg11[%parallel_loop3A_277] {strides = array<i32>} : memref<4096xf32, #tpu.memory_space<vmem>>, vector<16xf32>,
        tpu.vector_store %arg11[%parallel_loop3A_277], %parallel_loop3A_276 {strides = array<i32>} : memref<4096xf32, #tpu.memory_space<vmem>>, vector<16xf32>,
      } {sc.loop_unroll_factor = 16 : i64, sc.parallel_access}
      %add3A_182 = arith.addi %mul3A_2, %add3A_163 : i32
      %dma_start3A_183 = arith.constant 1 : i32
      %dma_start3A_184 = arith.constant 0 : i32
      %dma_start3A_185 = tpu.memref_slice %arg4[%add3A_182, %dma_start3A_184] : memref<2048x4096xf32, #tpu.memory_space<hbm>> -> memref<1x4096xf32, #tpu.memory_space<hbm>>
      %dma_start3A_186 = tpu.memref_squeeze %dma_start3A_185 : memref<1x4096xf32, #tpu.memory_space<hbm>> -> memref<4096xf32, #tpu.memory_space<hbm>>
      %dma_start3A_187 = tpu.memref_slice %arg15[%dma_start3A_183] : memref<4x!tpu.dma_semaphore, #tpu.memory_space<semaphore_mem>> -> memref<1x!tpu.dma_semaphore, #tpu.memory_space<semaphore_mem>>
      %dma_start3A_188 = tpu.memref_squeeze %dma_start3A_187 : memref<1x!tpu.dma_semaphore, #tpu.memory_space<semaphore_mem>> -> memref<!tpu.dma_semaphore, #tpu.memory_space<semaphore_mem>>
      %dma_start3A_189 = arith.constant 0 : i32
      %dma_start3A_190 = tpu.memref_slice %arg4[%add3A_182, %dma_start3A_189] : memref<2048x4096xf32, #tpu.memory_space<hbm>> -> memref<1x4096xf32, #tpu.memory_space<hbm>>
      %dma_start3A_191 = tpu.memref_squeeze %dma_start3A_190 : memref<1x4096xf32, #tpu.memory_space<hbm>> -> memref<4096xf32, #tpu.memory_space<hbm>>
      tpu.enqueue_dma source(%arg11 : memref<4096xf32, #tpu.memory_space<vmem>>) target(%dma_start3A_191 : memref<4096xf32, #tpu.memory_space<hbm>>) target_semaphore(%dma_start3A_188 : memref<!tpu.dma_semaphore, #tpu.memory_space<semaphore_mem>>)
      %add3A_192 = arith.constant 4 : i32
      %add3A_193 = arith.addi %add3A_163, %add3A_192 : i32
      %lt3A_194 = arith.constant 64 : i32
      %lt3A_195 = arith.cmpi slt, %add3A_193, %lt3A_194 : i32
      %convert_element_type3A_196 = arith.extui %lt3A_195 : i1 to i32
      %cond3A_197 = arith.constant 0 : i32
      %cond3A_198 = arith.cmpi ne, %convert_element_type3A_196, %cond3A_197 : i32
      scf.if %cond3A_198 {
        %add3A_273 = arith.addi %mul3A_2, %add3A_163 : i32
        %add3A_274 = arith.constant 4 : i32
        %add3A_275 = arith.addi %add3A_273, %add3A_274 : i32
        %dma_start3A_276 = arith.constant 1 : i32
        %dma_start3A_277 = arith.constant 0 : i32
        %dma_start3A_278 = tpu.memref_slice %arg2[%add3A_275, %dma_start3A_277] : memref<2048x16384xf32, #tpu.memory_space<hbm>> -> memref<1x16384xf32, #tpu.memory_space<hbm>>
        %dma_start3A_279 = tpu.memref_squeeze %dma_start3A_278 : memref<1x16384xf32, #tpu.memory_space<hbm>> -> memref<16384xf32, #tpu.memory_space<hbm>>
        %dma_start3A_280 = tpu.memref_slice %arg14[%dma_start3A_276] : memref<4x!tpu.dma_semaphore, #tpu.memory_space<semaphore_mem>> -> memref<1x!tpu.dma_semaphore, #tpu.memory_space<semaphore_mem>>
        %dma_start3A_281 = tpu.memref_squeeze %dma_start3A_280 : memref<1x!tpu.dma_semaphore, #tpu.memory_space<semaphore_mem>> -> memref<!tpu.dma_semaphore, #tpu.memory_space<semaphore_mem>>
        %dma_start3A_282 = arith.constant 0 : i32
        %dma_start3A_283 = tpu.memref_slice %arg2[%add3A_275, %dma_start3A_282] : memref<2048x16384xf32, #tpu.memory_space<hbm>> -> memref<1x16384xf32, #tpu.memory_space<hbm>>
        %dma_start3A_284 = tpu.memref_squeeze %dma_start3A_283 : memref<1x16384xf32, #tpu.memory_space<hbm>> -> memref<16384xf32, #tpu.memory_space<hbm>>
        tpu.enqueue_dma source(%dma_start3A_284 : memref<16384xf32, #tpu.memory_space<hbm>>) target(%arg7 : memref<16384xf32, #tpu.memory_space<vmem>>) target_semaphore(%dma_start3A_281 : memref<!tpu.dma_semaphore, #tpu.memory_space<semaphore_mem>>)
      } else {
      }
      %add3A_199 = arith.constant 2 : i32
      %add3A_200 = arith.addi %add3A_129, %add3A_199 : i32
      %add3A_201 = arith.addi %mul3A_2, %add3A_200 : i32
      %dma_wait3A_202 = arith.constant 2 : i32
      %dma_wait3A_203 = arith.constant 0 : i32
      %dma_wait3A_204 = tpu.memref_slice %arg2[%add3A_201, %dma_wait3A_203] : memref<2048x16384xf32, #tpu.memory_space<hbm>> -> memref<1x16384xf32, #tpu.memory_space<hbm>>
      %dma_wait3A_205 = tpu.memref_squeeze %dma_wait3A_204 : memref<1x16384xf32, #tpu.memory_space<hbm>> -> memref<16384xf32, #tpu.memory_space<hbm>>
      %dma_wait3A_206 = tpu.memref_slice %arg14[%dma_wait3A_202] : memref<4x!tpu.dma_semaphore, #tpu.memory_space<semaphore_mem>> -> memref<1x!tpu.dma_semaphore, #tpu.memory_space<semaphore_mem>>
      %dma_wait3A_207 = tpu.memref_squeeze %dma_wait3A_206 : memref<1x!tpu.dma_semaphore, #tpu.memory_space<semaphore_mem>> -> memref<!tpu.dma_semaphore, #tpu.memory_space<semaphore_mem>>
      %dma_wait3A_208 = arith.constant 0 : i32
      %dma_wait3A_209 = tpu.memref_slice %arg2[%add3A_201, %dma_wait3A_208] : memref<2048x16384xf32, #tpu.memory_space<hbm>> -> memref<1x16384xf32, #tpu.memory_space<hbm>>
      %dma_wait3A_210 = tpu.memref_squeeze %dma_wait3A_209 : memref<1x16384xf32, #tpu.memory_space<hbm>> -> memref<16384xf32, #tpu.memory_space<hbm>>
      tpu.wait_dma2 semaphore(%dma_wait3A_207 : memref<!tpu.dma_semaphore, #tpu.memory_space<semaphore_mem>>) src(%dma_wait3A_210 : memref<16384xf32, #tpu.memory_space<hbm>>) dst(%arg8 : memref<16384xf32, #tpu.memory_space<vmem>>)
      %ge3A_211 = arith.constant 4 : i32
      %ge3A_212 = arith.cmpi sge, %add3A_200, %ge3A_211 : i32
      %convert_element_type3A_213 = arith.extui %ge3A_212 : i1 to i32
      %cond3A_214 = arith.constant 0 : i32
      %cond3A_215 = arith.cmpi ne, %convert_element_type3A_213, %cond3A_214 : i32
      scf.if %cond3A_215 {
        %add3A_273 = arith.addi %mul3A_2, %add3A_200 : i32
        %sub3A_274 = arith.constant 4 : i32
        %sub3A_275 = arith.subi %add3A_273, %sub3A_274 : i32
        %dma_wait3A_276 = arith.constant 2 : i32
        %dma_wait3A_277 = arith.constant 0 : i32
        %dma_wait3A_278 = tpu.memref_slice %arg4[%sub3A_275, %dma_wait3A_277] : memref<2048x4096xf32, #tpu.memory_space<hbm>> -> memref<1x4096xf32, #tpu.memory_space<hbm>>
        %dma_wait3A_279 = tpu.memref_squeeze %dma_wait3A_278 : memref<1x4096xf32, #tpu.memory_space<hbm>> -> memref<4096xf32, #tpu.memory_space<hbm>>
        %dma_wait3A_280 = tpu.memref_slice %arg15[%dma_wait3A_276] : memref<4x!tpu.dma_semaphore, #tpu.memory_space<semaphore_mem>> -> memref<1x!tpu.dma_semaphore, #tpu.memory_space<semaphore_mem>>
        %dma_wait3A_281 = tpu.memref_squeeze %dma_wait3A_280 : memref<1x!tpu.dma_semaphore, #tpu.memory_space<semaphore_mem>> -> memref<!tpu.dma_semaphore, #tpu.memory_space<semaphore_mem>>
        %dma_wait3A_282 = arith.constant 0 : i32
        %dma_wait3A_283 = tpu.memref_slice %arg4[%sub3A_275, %dma_wait3A_282] : memref<2048x4096xf32, #tpu.memory_space<hbm>> -> memref<1x4096xf32, #tpu.memory_space<hbm>>
        %dma_wait3A_284 = tpu.memref_squeeze %dma_wait3A_283 : memref<1x4096xf32, #tpu.memory_space<hbm>> -> memref<4096xf32, #tpu.memory_space<hbm>>
        tpu.wait_dma2 semaphore(%dma_wait3A_281 : memref<!tpu.dma_semaphore, #tpu.memory_space<semaphore_mem>>) src(%arg12 : memref<4096xf32, #tpu.memory_space<vmem>>) dst(%dma_wait3A_284 : memref<4096xf32, #tpu.memory_space<hbm>>)
      } else {
      }
      %parallel_loop3A_216 = arith.constant 0 : i32
      %parallel_loop3A_217 = arith.constant 4096 : i32
      %parallel_loop3A_218 = arith.constant 16 : i32
      scf.for %parallel_loop3A_273 = %parallel_loop3A_216 to %parallel_loop3A_217 step %parallel_loop3A_218  : i32 {
        %parallel_loop3A_274 = arith.index_cast %parallel_loop3A_273 : i32 to index
        %parallel_loop3A_275 = tpu.vector_load %arg5[%parallel_loop3A_274] {strides = array<i32>} : memref<4096xi32, #tpu.memory_space<vmem>>, vector<16xi32>,
        %parallel_loop3A_276 = tpu.vector_load_idx %arg8[%parallel_loop3A_275] : memref<16384xf32, #tpu.memory_space<vmem>>[vector<16xi32>], vector<16xf32>,
        %parallel_loop3A_277 = arith.index_cast %parallel_loop3A_273 : i32 to index
        %parallel_loop3A_278 = tpu.vector_load %arg12[%parallel_loop3A_277] {strides = array<i32>} : memref<4096xf32, #tpu.memory_space<vmem>>, vector<16xf32>,
        tpu.vector_store %arg12[%parallel_loop3A_277], %parallel_loop3A_276 {strides = array<i32>} : memref<4096xf32, #tpu.memory_space<vmem>>, vector<16xf32>,
      } {sc.loop_unroll_factor = 16 : i64, sc.parallel_access}
      %add3A_219 = arith.addi %mul3A_2, %add3A_200 : i32
      %dma_start3A_220 = arith.constant 2 : i32
      %dma_start3A_221 = arith.constant 0 : i32
      %dma_start3A_222 = tpu.memref_slice %arg4[%add3A_219, %dma_start3A_221] : memref<2048x4096xf32, #tpu.memory_space<hbm>> -> memref<1x4096xf32, #tpu.memory_space<hbm>>
      %dma_start3A_223 = tpu.memref_squeeze %dma_start3A_222 : memref<1x4096xf32, #tpu.memory_space<hbm>> -> memref<4096xf32, #tpu.memory_space<hbm>>
      %dma_start3A_224 = tpu.memref_slice %arg15[%dma_start3A_220] : memref<4x!tpu.dma_semaphore, #tpu.memory_space<semaphore_mem>> -> memref<1x!tpu.dma_semaphore, #tpu.memory_space<semaphore_mem>>
      %dma_start3A_225 = tpu.memref_squeeze %dma_start3A_224 : memref<1x!tpu.dma_semaphore, #tpu.memory_space<semaphore_mem>> -> memref<!tpu.dma_semaphore, #tpu.memory_space<semaphore_mem>>
      %dma_start3A_226 = arith.constant 0 : i32
      %dma_start3A_227 = tpu.memref_slice %arg4[%add3A_219, %dma_start3A_226] : memref<2048x4096xf32, #tpu.memory_space<hbm>> -> memref<1x4096xf32, #tpu.memory_space<hbm>>
      %dma_start3A_228 = tpu.memref_squeeze %dma_start3A_227 : memref<1x4096xf32, #tpu.memory_space<hbm>> -> memref<4096xf32, #tpu.memory_space<hbm>>
      tpu.enqueue_dma source(%arg12 : memref<4096xf32, #tpu.memory_space<vmem>>) target(%dma_start3A_228 : memref<4096xf32, #tpu.memory_space<hbm>>) target_semaphore(%dma_start3A_225 : memref<!tpu.dma_semaphore, #tpu.memory_space<semaphore_mem>>)
      %add3A_229 = arith.constant 4 : i32
      %add3A_230 = arith.addi %add3A_200, %add3A_229 : i32
      %lt3A_231 = arith.constant 64 : i32
      %lt3A_232 = arith.cmpi slt, %add3A_230, %lt3A_231 : i32
      %convert_element_type3A_233 = arith.extui %lt3A_232 : i1 to i32
      %cond3A_234 = arith.constant 0 : i32
      %cond3A_235 = arith.cmpi ne, %convert_element_type3A_233, %cond3A_234 : i32
      scf.if %cond3A_235 {
        %add3A_273 = arith.addi %mul3A_2, %add3A_200 : i32
        %add3A_274 = arith.constant 4 : i32
        %add3A_275 = arith.addi %add3A_273, %add3A_274 : i32
        %dma_start3A_276 = arith.constant 2 : i32
        %dma_start3A_277 = arith.constant 0 : i32
        %dma_start3A_278 = tpu.memref_slice %arg2[%add3A_275, %dma_start3A_277] : memref<2048x16384xf32, #tpu.memory_space<hbm>> -> memref<1x16384xf32, #tpu.memory_space<hbm>>
        %dma_start3A_279 = tpu.memref_squeeze %dma_start3A_278 : memref<1x16384xf32, #tpu.memory_space<hbm>> -> memref<16384xf32, #tpu.memory_space<hbm>>
        %dma_start3A_280 = tpu.memref_slice %arg14[%dma_start3A_276] : memref<4x!tpu.dma_semaphore, #tpu.memory_space<semaphore_mem>> -> memref<1x!tpu.dma_semaphore, #tpu.memory_space<semaphore_mem>>
        %dma_start3A_281 = tpu.memref_squeeze %dma_start3A_280 : memref<1x!tpu.dma_semaphore, #tpu.memory_space<semaphore_mem>> -> memref<!tpu.dma_semaphore, #tpu.memory_space<semaphore_mem>>
        %dma_start3A_282 = arith.constant 0 : i32
        %dma_start3A_283 = tpu.memref_slice %arg2[%add3A_275, %dma_start3A_282] : memref<2048x16384xf32, #tpu.memory_space<hbm>> -> memref<1x16384xf32, #tpu.memory_space<hbm>>
        %dma_start3A_284 = tpu.memref_squeeze %dma_start3A_283 : memref<1x16384xf32, #tpu.memory_space<hbm>> -> memref<16384xf32, #tpu.memory_space<hbm>>
        tpu.enqueue_dma source(%dma_start3A_284 : memref<16384xf32, #tpu.memory_space<hbm>>) target(%arg8 : memref<16384xf32, #tpu.memory_space<vmem>>) target_semaphore(%dma_start3A_281 : memref<!tpu.dma_semaphore, #tpu.memory_space<semaphore_mem>>)
      } else {
      }
      %add3A_236 = arith.constant 3 : i32
      %add3A_237 = arith.addi %add3A_129, %add3A_236 : i32
      %add3A_238 = arith.addi %mul3A_2, %add3A_237 : i32
      %dma_wait3A_239 = arith.constant 3 : i32
      %dma_wait3A_240 = arith.constant 0 : i32
      %dma_wait3A_241 = tpu.memref_slice %arg2[%add3A_238, %dma_wait3A_240] : memref<2048x16384xf32, #tpu.memory_space<hbm>> -> memref<1x16384xf32, #tpu.memory_space<hbm>>
      %dma_wait3A_242 = tpu.memref_squeeze %dma_wait3A_241 : memref<1x16384xf32, #tpu.memory_space<hbm>> -> memref<16384xf32, #tpu.memory_space<hbm>>
      %dma_wait3A_243 = tpu.memref_slice %arg14[%dma_wait3A_239] : memref<4x!tpu.dma_semaphore, #tpu.memory_space<semaphore_mem>> -> memref<1x!tpu.dma_semaphore, #tpu.memory_space<semaphore_mem>>
      %dma_wait3A_244 = tpu.memref_squeeze %dma_wait3A_243 : memref<1x!tpu.dma_semaphore, #tpu.memory_space<semaphore_mem>> -> memref<!tpu.dma_semaphore, #tpu.memory_space<semaphore_mem>>
      %dma_wait3A_245 = arith.constant 0 : i32
      %dma_wait3A_246 = tpu.memref_slice %arg2[%add3A_238, %dma_wait3A_245] : memref<2048x16384xf32, #tpu.memory_space<hbm>> -> memref<1x16384xf32, #tpu.memory_space<hbm>>
      %dma_wait3A_247 = tpu.memref_squeeze %dma_wait3A_246 : memref<1x16384xf32, #tpu.memory_space<hbm>> -> memref<16384xf32, #tpu.memory_space<hbm>>
      tpu.wait_dma2 semaphore(%dma_wait3A_244 : memref<!tpu.dma_semaphore, #tpu.memory_space<semaphore_mem>>) src(%dma_wait3A_247 : memref<16384xf32, #tpu.memory_space<hbm>>) dst(%arg9 : memref<16384xf32, #tpu.memory_space<vmem>>)
      %ge3A_248 = arith.constant 4 : i32
      %ge3A_249 = arith.cmpi sge, %add3A_237, %ge3A_248 : i32
      %convert_element_type3A_250 = arith.extui %ge3A_249 : i1 to i32
      %cond3A_251 = arith.constant 0 : i32
      %cond3A_252 = arith.cmpi ne, %convert_element_type3A_250, %cond3A_251 : i32
      scf.if %cond3A_252 {
        %add3A_273 = arith.addi %mul3A_2, %add3A_237 : i32
        %sub3A_274 = arith.constant 4 : i32
        %sub3A_275 = arith.subi %add3A_273, %sub3A_274 : i32
        %dma_wait3A_276 = arith.constant 3 : i32
        %dma_wait3A_277 = arith.constant 0 : i32
        %dma_wait3A_278 = tpu.memref_slice %arg4[%sub3A_275, %dma_wait3A_277] : memref<2048x4096xf32, #tpu.memory_space<hbm>> -> memref<1x4096xf32, #tpu.memory_space<hbm>>
        %dma_wait3A_279 = tpu.memref_squeeze %dma_wait3A_278 : memref<1x4096xf32, #tpu.memory_space<hbm>> -> memref<4096xf32, #tpu.memory_space<hbm>>
        %dma_wait3A_280 = tpu.memref_slice %arg15[%dma_wait3A_276] : memref<4x!tpu.dma_semaphore, #tpu.memory_space<semaphore_mem>> -> memref<1x!tpu.dma_semaphore, #tpu.memory_space<semaphore_mem>>
        %dma_wait3A_281 = tpu.memref_squeeze %dma_wait3A_280 : memref<1x!tpu.dma_semaphore, #tpu.memory_space<semaphore_mem>> -> memref<!tpu.dma_semaphore, #tpu.memory_space<semaphore_mem>>
        %dma_wait3A_282 = arith.constant 0 : i32
        %dma_wait3A_283 = tpu.memref_slice %arg4[%sub3A_275, %dma_wait3A_282] : memref<2048x4096xf32, #tpu.memory_space<hbm>> -> memref<1x4096xf32, #tpu.memory_space<hbm>>
        %dma_wait3A_284 = tpu.memref_squeeze %dma_wait3A_283 : memref<1x4096xf32, #tpu.memory_space<hbm>> -> memref<4096xf32, #tpu.memory_space<hbm>>
        tpu.wait_dma2 semaphore(%dma_wait3A_281 : memref<!tpu.dma_semaphore, #tpu.memory_space<semaphore_mem>>) src(%arg13 : memref<4096xf32, #tpu.memory_space<vmem>>) dst(%dma_wait3A_284 : memref<4096xf32, #tpu.memory_space<hbm>>)
      } else {
      }
      %parallel_loop3A_253 = arith.constant 0 : i32
      %parallel_loop3A_254 = arith.constant 4096 : i32
      %parallel_loop3A_255 = arith.constant 16 : i32
      scf.for %parallel_loop3A_273 = %parallel_loop3A_253 to %parallel_loop3A_254 step %parallel_loop3A_255  : i32 {
        %parallel_loop3A_274 = arith.index_cast %parallel_loop3A_273 : i32 to index
        %parallel_loop3A_275 = tpu.vector_load %arg5[%parallel_loop3A_274] {strides = array<i32>} : memref<4096xi32, #tpu.memory_space<vmem>>, vector<16xi32>,
        %parallel_loop3A_276 = tpu.vector_load_idx %arg9[%parallel_loop3A_275] : memref<16384xf32, #tpu.memory_space<vmem>>[vector<16xi32>], vector<16xf32>,
        %parallel_loop3A_277 = arith.index_cast %parallel_loop3A_273 : i32 to index
        %parallel_loop3A_278 = tpu.vector_load %arg13[%parallel_loop3A_277] {strides = array<i32>} : memref<4096xf32, #tpu.memory_space<vmem>>, vector<16xf32>,
        tpu.vector_store %arg13[%parallel_loop3A_277], %parallel_loop3A_276 {strides = array<i32>} : memref<4096xf32, #tpu.memory_space<vmem>>, vector<16xf32>,
      } {sc.loop_unroll_factor = 16 : i64, sc.parallel_access}
      %add3A_256 = arith.addi %mul3A_2, %add3A_237 : i32
      %dma_start3A_257 = arith.constant 3 : i32
      %dma_start3A_258 = arith.constant 0 : i32
      %dma_start3A_259 = tpu.memref_slice %arg4[%add3A_256, %dma_start3A_258] : memref<2048x4096xf32, #tpu.memory_space<hbm>> -> memref<1x4096xf32, #tpu.memory_space<hbm>>
      %dma_start3A_260 = tpu.memref_squeeze %dma_start3A_259 : memref<1x4096xf32, #tpu.memory_space<hbm>> -> memref<4096xf32, #tpu.memory_space<hbm>>
      %dma_start3A_261 = tpu.memref_slice %arg15[%dma_start3A_257] : memref<4x!tpu.dma_semaphore, #tpu.memory_space<semaphore_mem>> -> memref<1x!tpu.dma_semaphore, #tpu.memory_space<semaphore_mem>>
      %dma_start3A_262 = tpu.memref_squeeze %dma_start3A_261 : memref<1x!tpu.dma_semaphore, #tpu.memory_space<semaphore_mem>> -> memref<!tpu.dma_semaphore, #tpu.memory_space<semaphore_mem>>
      %dma_start3A_263 = arith.constant 0 : i32
      %dma_start3A_264 = tpu.memref_slice %arg4[%add3A_256, %dma_start3A_263] : memref<2048x4096xf32, #tpu.memory_space<hbm>> -> memref<1x4096xf32, #tpu.memory_space<hbm>>
      %dma_start3A_265 = tpu.memref_squeeze %dma_start3A_264 : memref<1x4096xf32, #tpu.memory_space<hbm>> -> memref<4096xf32, #tpu.memory_space<hbm>>
      tpu.enqueue_dma source(%arg13 : memref<4096xf32, #tpu.memory_space<vmem>>) target(%dma_start3A_265 : memref<4096xf32, #tpu.memory_space<hbm>>) target_semaphore(%dma_start3A_262 : memref<!tpu.dma_semaphore, #tpu.memory_space<semaphore_mem>>)
      %add3A_266 = arith.constant 4 : i32
      %add3A_267 = arith.addi %add3A_237, %add3A_266 : i32
      %lt3A_268 = arith.constant 64 : i32
      %lt3A_269 = arith.cmpi slt, %add3A_267, %lt3A_268 : i32
      %convert_element_type3A_270 = arith.extui %lt3A_269 : i1 to i32
      %cond3A_271 = arith.constant 0 : i32
      %cond3A_272 = arith.cmpi ne, %convert_element_type3A_270, %cond3A_271 : i32
      scf.if %cond3A_272 {
        %add3A_273 = arith.addi %mul3A_2, %add3A_237 : i32
        %add3A_274 = arith.constant 4 : i32
        %add3A_275 = arith.addi %add3A_273, %add3A_274 : i32
        %dma_start3A_276 = arith.constant 3 : i32
        %dma_start3A_277 = arith.constant 0 : i32
        %dma_start3A_278 = tpu.memref_slice %arg2[%add3A_275, %dma_start3A_277] : memref<2048x16384xf32, #tpu.memory_space<hbm>> -> memref<1x16384xf32, #tpu.memory_space<hbm>>
        %dma_start3A_279 = tpu.memref_squeeze %dma_start3A_278 : memref<1x16384xf32, #tpu.memory_space<hbm>> -> memref<16384xf32, #tpu.memory_space<hbm>>
        %dma_start3A_280 = tpu.memref_slice %arg14[%dma_start3A_276] : memref<4x!tpu.dma_semaphore, #tpu.memory_space<semaphore_mem>> -> memref<1x!tpu.dma_semaphore, #tpu.memory_space<semaphore_mem>>
        %dma_start3A_281 = tpu.memref_squeeze %dma_start3A_280 : memref<1x!tpu.dma_semaphore, #tpu.memory_space<semaphore_mem>> -> memref<!tpu.dma_semaphore, #tpu.memory_space<semaphore_mem>>
        %dma_start3A_282 = arith.constant 0 : i32
        %dma_start3A_283 = tpu.memref_slice %arg2[%add3A_275, %dma_start3A_282] : memref<2048x16384xf32, #tpu.memory_space<hbm>> -> memref<1x16384xf32, #tpu.memory_space<hbm>>
        %dma_start3A_284 = tpu.memref_squeeze %dma_start3A_283 : memref<1x16384xf32, #tpu.memory_space<hbm>> -> memref<16384xf32, #tpu.memory_space<hbm>>
        tpu.enqueue_dma source(%dma_start3A_284 : memref<16384xf32, #tpu.memory_space<hbm>>) target(%arg9 : memref<16384xf32, #tpu.memory_space<vmem>>) target_semaphore(%dma_start3A_281 : memref<!tpu.dma_semaphore, #tpu.memory_space<semaphore_mem>>)
      } else {
      }
    }
    %scan3A_65 = arith.constant 16 : i32
    %add3A_66 = arith.constant 64 : i32
    %add3A_67 = arith.addi %mul3A_2, %add3A_66 : i32
    %sub3A_68 = arith.constant 4 : i32
    %sub3A_69 = arith.subi %add3A_67, %sub3A_68 : i32
    %add3A_70 = arith.constant 0 : i32
    %add3A_71 = arith.addi %sub3A_69, %add3A_70 : i32
    %dma_wait3A = arith.constant 0 : i32
    %dma_wait3A_72 = arith.constant 0 : i32
    %dma_wait3A_73 = tpu.memref_slice %arg4[%add3A_71, %dma_wait3A_72] : memref<2048x4096xf32, #tpu.memory_space<hbm>> -> memref<1x4096xf32, #tpu.memory_space<hbm>>
    %dma_wait3A_74 = tpu.memref_squeeze %dma_wait3A_73 : memref<1x4096xf32, #tpu.memory_space<hbm>> -> memref<4096xf32, #tpu.memory_space<hbm>>
    %dma_wait3A_75 = tpu.memref_slice %arg15[%dma_wait3A] : memref<4x!tpu.dma_semaphore, #tpu.memory_space<semaphore_mem>> -> memref<1x!tpu.dma_semaphore, #tpu.memory_space<semaphore_mem>>
    %dma_wait3A_76 = tpu.memref_squeeze %dma_wait3A_75 : memref<1x!tpu.dma_semaphore, #tpu.memory_space<semaphore_mem>> -> memref<!tpu.dma_semaphore, #tpu.memory_space<semaphore_mem>>
    %dma_wait3A_77 = arith.constant 0 : i32
    %dma_wait3A_78 = tpu.memref_slice %arg4[%add3A_71, %dma_wait3A_77] : memref<2048x4096xf32, #tpu.memory_space<hbm>> -> memref<1x4096xf32, #tpu.memory_space<hbm>>
    %dma_wait3A_79 = tpu.memref_squeeze %dma_wait3A_78 : memref<1x4096xf32, #tpu.memory_space<hbm>> -> memref<4096xf32, #tpu.memory_space<hbm>>
    tpu.wait_dma2 semaphore(%dma_wait3A_76 : memref<!tpu.dma_semaphore, #tpu.memory_space<semaphore_mem>>) src(%arg10 : memref<4096xf32, #tpu.memory_space<vmem>>) dst(%dma_wait3A_79 : memref<4096xf32, #tpu.memory_space<hbm>>)
    %add3A_80 = arith.constant 64 : i32
    %add3A_81 = arith.addi %mul3A_2, %add3A_80 : i32
    %sub3A_82 = arith.constant 4 : i32
    %sub3A_83 = arith.subi %add3A_81, %sub3A_82 : i32
    %add3A_84 = arith.constant 1 : i32
    %add3A_85 = arith.addi %sub3A_83, %add3A_84 : i32
    %dma_wait3A_86 = arith.constant 1 : i32
    %dma_wait3A_87 = arith.constant 0 : i32
    %dma_wait3A_88 = tpu.memref_slice %arg4[%add3A_85, %dma_wait3A_87] : memref<2048x4096xf32, #tpu.memory_space<hbm>> -> memref<1x4096xf32, #tpu.memory_space<hbm>>
    %dma_wait3A_89 = tpu.memref_squeeze %dma_wait3A_88 : memref<1x4096xf32, #tpu.memory_space<hbm>> -> memref<4096xf32, #tpu.memory_space<hbm>>
    %dma_wait3A_90 = tpu.memref_slice %arg15[%dma_wait3A_86] : memref<4x!tpu.dma_semaphore, #tpu.memory_space<semaphore_mem>> -> memref<1x!tpu.dma_semaphore, #tpu.memory_space<semaphore_mem>>
    %dma_wait3A_91 = tpu.memref_squeeze %dma_wait3A_90 : memref<1x!tpu.dma_semaphore, #tpu.memory_space<semaphore_mem>> -> memref<!tpu.dma_semaphore, #tpu.memory_space<semaphore_mem>>
    %dma_wait3A_92 = arith.constant 0 : i32
    %dma_wait3A_93 = tpu.memref_slice %arg4[%add3A_85, %dma_wait3A_92] : memref<2048x4096xf32, #tpu.memory_space<hbm>> -> memref<1x4096xf32, #tpu.memory_space<hbm>>
    %dma_wait3A_94 = tpu.memref_squeeze %dma_wait3A_93 : memref<1x4096xf32, #tpu.memory_space<hbm>> -> memref<4096xf32, #tpu.memory_space<hbm>>
    tpu.wait_dma2 semaphore(%dma_wait3A_91 : memref<!tpu.dma_semaphore, #tpu.memory_space<semaphore_mem>>) src(%arg11 : memref<4096xf32, #tpu.memory_space<vmem>>) dst(%dma_wait3A_94 : memref<4096xf32, #tpu.memory_space<hbm>>)
    %add3A_95 = arith.constant 64 : i32
    %add3A_96 = arith.addi %mul3A_2, %add3A_95 : i32
    %sub3A_97 = arith.constant 4 : i32
    %sub3A_98 = arith.subi %add3A_96, %sub3A_97 : i32
    %add3A_99 = arith.constant 2 : i32
    %add3A_100 = arith.addi %sub3A_98, %add3A_99 : i32
    %dma_wait3A_101 = arith.constant 2 : i32
    %dma_wait3A_102 = arith.constant 0 : i32
    %dma_wait3A_103 = tpu.memref_slice %arg4[%add3A_100, %dma_wait3A_102] : memref<2048x4096xf32, #tpu.memory_space<hbm>> -> memref<1x4096xf32, #tpu.memory_space<hbm>>
    %dma_wait3A_104 = tpu.memref_squeeze %dma_wait3A_103 : memref<1x4096xf32, #tpu.memory_space<hbm>> -> memref<4096xf32, #tpu.memory_space<hbm>>
    %dma_wait3A_105 = tpu.memref_slice %arg15[%dma_wait3A_101] : memref<4x!tpu.dma_semaphore, #tpu.memory_space<semaphore_mem>> -> memref<1x!tpu.dma_semaphore, #tpu.memory_space<semaphore_mem>>
    %dma_wait3A_106 = tpu.memref_squeeze %dma_wait3A_105 : memref<1x!tpu.dma_semaphore, #tpu.memory_space<semaphore_mem>> -> memref<!tpu.dma_semaphore, #tpu.memory_space<semaphore_mem>>
    %dma_wait3A_107 = arith.constant 0 : i32
    %dma_wait3A_108 = tpu.memref_slice %arg4[%add3A_100, %dma_wait3A_107] : memref<2048x4096xf32, #tpu.memory_space<hbm>> -> memref<1x4096xf32, #tpu.memory_space<hbm>>
    %dma_wait3A_109 = tpu.memref_squeeze %dma_wait3A_108 : memref<1x4096xf32, #tpu.memory_space<hbm>> -> memref<4096xf32, #tpu.memory_space<hbm>>
    tpu.wait_dma2 semaphore(%dma_wait3A_106 : memref<!tpu.dma_semaphore, #tpu.memory_space<semaphore_mem>>) src(%arg12 : memref<4096xf32, #tpu.memory_space<vmem>>) dst(%dma_wait3A_109 : memref<4096xf32, #tpu.memory_space<hbm>>)
    %add3A_110 = arith.constant 64 : i32
    %add3A_111 = arith.addi %mul3A_2, %add3A_110 : i32
    %sub3A_112 = arith.constant 4 : i32
    %sub3A_113 = arith.subi %add3A_111, %sub3A_112 : i32
    %add3A_114 = arith.constant 3 : i32
    %add3A_115 = arith.addi %sub3A_113, %add3A_114 : i32
    %dma_wait3A_116 = arith.constant 3 : i32
    %dma_wait3A_117 = arith.constant 0 : i32
    %dma_wait3A_118 = tpu.memref_slice %arg4[%add3A_115, %dma_wait3A_117] : memref<2048x4096xf32, #tpu.memory_space<hbm>> -> memref<1x4096xf32, #tpu.memory_space<hbm>>
    %dma_wait3A_119 = tpu.memref_squeeze %dma_wait3A_118 : memref<1x4096xf32, #tpu.memory_space<hbm>> -> memref<4096xf32, #tpu.memory_space<hbm>>
    %dma_wait3A_120 = tpu.memref_slice %arg15[%dma_wait3A_116] : memref<4x!tpu.dma_semaphore, #tpu.memory_space<semaphore_mem>> -> memref<1x!tpu.dma_semaphore, #tpu.memory_space<semaphore_mem>>
    %dma_wait3A_121 = tpu.memref_squeeze %dma_wait3A_120 : memref<1x!tpu.dma_semaphore, #tpu.memory_space<semaphore_mem>> -> memref<!tpu.dma_semaphore, #tpu.memory_space<semaphore_mem>>
    %dma_wait3A_122 = arith.constant 0 : i32
    %dma_wait3A_123 = tpu.memref_slice %arg4[%add3A_115, %dma_wait3A_122] : memref<2048x4096xf32, #tpu.memory_space<hbm>> -> memref<1x4096xf32, #tpu.memory_space<hbm>>
    %dma_wait3A_124 = tpu.memref_squeeze %dma_wait3A_123 : memref<1x4096xf32, #tpu.memory_space<hbm>> -> memref<4096xf32, #tpu.memory_space<hbm>>
    tpu.wait_dma2 semaphore(%dma_wait3A_121 : memref<!tpu.dma_semaphore, #tpu.memory_space<semaphore_mem>>) src(%arg13 : memref<4096xf32, #tpu.memory_space<vmem>>) dst(%dma_wait3A_124 : memref<4096xf32, #tpu.memory_space<hbm>>)
    return
  }
}

</mosaic_0001>

<sc_bundles>
// kernel: kernel.3.cloned.1.call-start
scs
__scs_entry_jumppad:
0x0: {  	(pc) =	sbr.rel $0x88, $3  }
0x1: {  	(tag) =	ssettag $0x0;
	lr =	simm.s32 $0x1  }
0x2: {  	[smem:$0x3F9F] =	sst lr;
	_ =	strace $0xD0000000  }
0x3: {  	_ = 	snop  }
0x4: {  	_ = 	snop  }
0x5: {  	_ = 	snop  }
0x6: {  	_ = 	snop  }
0x7: {  	_ = 	snop  }
__scs_overlays_trampoline_lowered:
0x8: {  	[smem:$0x3FAE] =	sst s0  }
0x9: {  	[smem:$0x3FAF] =	sst s1  }
0xa: {  	[smem:$0x3FB0] =	sst s2  }
0xb: {  	[smem:$0x3FB1] =	sst s3  }
0xc: {  	[smem:$0x3FB2] =	sst s4  }
0xd: {  	[smem:$0x3FB3] =	sst s5  }
0xe: {  	[smem:$0x3FB4] =	sst s6  }
0xf: {  	[smem:$0x3FB5] =	sst s7  }
0x10: {  	[smem:$0x3FB6] =	sst s8  }
0x11: {  	[smem:$0x3FB7] =	sst s9;
	s0 =	simm.s32 @!p0 $0x0  }
0x12: {  	s1 =	sld [smem:$0x3F9D];
	s0 =	simm.s32 @p0 $0x1  }
0x13: {  	[smem:$0x3FB8] =	sst s0;
	s0 =	simm.s32 @!p1 $0x0  }
0x14: {  	s2 =	sld [smem:$0x3F9C];
	s0 =	simm.s32 @p1 $0x1  }
0x15: {  	[smem:$0x3FB9] =	sst s0;
	s0 =	simm.s32 @!p2 $0x0  }
0x16: {  	s3 =	sld [smem:$0x3FDB];
	s0 =	simm.s32 @p2 $0x1  }
0x17: {  	s4 =	simm.s32 $0x1BF5;
	[smem:$0x3FBB] =	sst s0  }
0x18: {  	s0 =	sld [smem:$0x3F9E];
	_ =	swait.ge [sflag:s4], $0x0  }
0x19: {  	s7 =	sld [smem:$0x3F9F]  }
0x1a: {  	s8 =	sadd.s32 $0xFFFFE003, lr  }
0x1b: {  	s9 =	sadd.s32 $0xFFFFFEF7, lr;
	s5 =	simm.s32 $0xFFFFFFFF;
	p2 =	slt.u32 s8, $0xFFFFF086  }
0x1c: {  	p1 =	slt.u32 s9, $0xF7A;
	s5 =	simm.s32 @!p2 $0x0  }
0x1d: {  	s5 =	simm.s32 @p1 $0x1;
	p0 =	seq.s32 s7, s2  }
0x1e: {  	s7 =	smul.u32 @!p0 $0xF7A, s2;
	p2 =	seq.s32 @!p0 s5, $0x0  }
0x1f: {  	s9 =	smul.u32 $0xF7A, s1;
	s8 =	simm.s32 @!p0 $0x1BF5;
	p2 =	por !p2, p0  }
0x20: {  	[sflag:s8] =	ssyncset.s32 @!p0 $0xFFFFF086;
	s6 =	sadd.s32 @!p0 s3, s7;
	s7 =	simm.s32 @!p0 $0x108  }
0x21: {  	s3 =	sadd.s32 s3, s9;
	s6 =	sadd.s32 @!p0 $0x88, s6;
	s7 =	simm.s32 @p2 $0x1082  }
0x22: {  	[simem:s7], [sflag:s8] =	dma.local @!p0 [hbm:s6], $0xF7A  }
0x23: {  	s9 =	sor.u32 $0xD0000000, s2;
	s6 =	simm.s32 $0x108;
	_ =	swait.ge @!p0 [sflag:s8], $0x0  }
0x24: {  	s3 =	sadd.s32 $0x88, s3;
	s6 =	simm.s32 @!p1 $0x1082;
	[sflag:s4] =	ssyncset.s32 $0xFFFFF086  }
0x25: {  	[simem:s6], [sflag:s4] =	dma.local [hbm:s3], $0xF7A  }
0x26: {  	[smem:$0x3F9F] =	sst s1;
	(tag) =	ssettag s2;
	_ =	strace s9  }
0x27: {  	s1 =	sld [smem:$0x3FAF]  }
0x28: {  	s2 =	sld [smem:$0x3FB0]  }
0x29: {  	s4 =	sld [smem:$0x3FB2]  }
0x2a: {  	p0 =	seq.s32 s5, $0x0;
	s5 =	sld [smem:$0x3FB3]  }
0x2b: {  	s6 =	sld [smem:$0x3FB4]  }
0x2c: {  	s7 =	sld [smem:$0x3FB5]  }
0x2d: {  	s3 =	simm.s32 $0x108;
	s8 =	sld [smem:$0x3FB6]  }
0x2e: {  	s3 =	simm.s32 @!p0 $0x1082;
	s9 =	sld [smem:$0x3FB7]  }
0x2f: {  	lr =	sadd.s32 s0, s3;
	s0 =	sld [smem:$0x3FAE]  }
0x30: {  	s3 =	sld [smem:$0x3FB1]  }
0x31: {  	[smem:$0x3FBA] =	sst s10  }
0x32: {  	s10 =	sld [smem:$0x3FB8];
	_ =	sdelay $0x3  }
0x33: {  	p0 =	seq.s32 s10, $0x1;
	s10 =	sld [smem:$0x3FBA];
	_ =	sdelay $0x3  }
0x34: {  	[smem:$0x3FBA] =	sst s10  }
0x35: {  	s10 =	sld [smem:$0x3FB9];
	_ =	sdelay $0x3  }
0x36: {  	p1 =	seq.s32 s10, $0x1;
	s10 =	sld [smem:$0x3FBA];
	_ =	sdelay $0x3  }
0x37: {  	[smem:$0x3FBA] =	sst s10  }
0x38: {  	s10 =	sld [smem:$0x3FBB]  }
0x39: {  	_ = 	snop;
	(pc) =	sbr.ind lr, $3  }
0x3a: {  	_ = 	snop  }
0x3b: {  	_ = 	snop  }
0x3c: {  	p2 =	seq.s32 s10, $0x1;
	s10 =	sld [smem:$0x3FBA]  }
0x3d: {  	_ =	shalt  }
0x3e: {  	_ =	shalt  }
0x3f: {  	_ =	shalt  }
0x40: {  	_ =	shalt  }
0x41: {  	_ =	shalt  }
0x42: {  	_ =	shalt  }
0x43: {  	_ =	shalt  }
0x44: {  	_ =	shalt  }
0x45: {  	_ =	shalt  }
0x46: {  	_ =	shalt  }
0x47: {  	_ =	shalt  }
0x48: {  	_ =	shalt  }
0x49: {  	_ =	shalt  }
0x4a: {  	_ =	shalt  }
0x4b: {  	_ =	shalt  }
0x4c: {  	_ =	shalt  }
0x4d: {  	_ =	shalt  }
0x4e: {  	_ =	shalt  }
0x4f: {  	_ =	shalt  }
0x50: {  	_ =	shalt  }
0x51: {  	_ =	shalt  }
0x52: {  	_ =	shalt  }
0x53: {  	_ =	shalt  }
0x54: {  	_ =	shalt  }
0x55: {  	_ =	shalt  }
0x56: {  	_ =	shalt  }
0x57: {  	_ =	shalt  }
0x58: {  	_ =	shalt  }
0x59: {  	_ =	shalt  }
0x5a: {  	_ =	shalt  }
0x5b: {  	_ =	shalt  }
0x5c: {  	_ =	shalt  }
0x5d: {  	_ =	shalt  }
0x5e: {  	_ =	shalt  }
0x5f: {  	_ =	shalt  }
0x60: {  	_ =	shalt  }
0x61: {  	_ =	shalt  }
0x62: {  	_ =	shalt  }
0x63: {  	_ =	shalt  }
0x64: {  	_ =	shalt  }
0x65: {  	_ =	shalt  }
0x66: {  	_ =	shalt  }
0x67: {  	_ =	shalt  }
0x68: {  	_ =	shalt  }
0x69: {  	_ =	shalt  }
0x6a: {  	_ =	shalt  }
0x6b: {  	_ =	shalt  }
0x6c: {  	_ =	shalt  }
0x6d: {  	_ =	shalt  }
0x6e: {  	_ =	shalt  }
0x6f: {  	_ =	shalt  }
0x70: {  	_ =	shalt  }
0x71: {  	_ =	shalt  }
0x72: {  	_ =	shalt  }
0x73: {  	_ =	shalt  }
0x74: {  	_ =	shalt  }
0x75: {  	_ =	shalt  }
0x76: {  	_ =	shalt  }
0x77: {  	_ =	shalt  }
0x78: {  	_ =	shalt  }
0x79: {  	_ =	shalt  }
0x7a: {  	_ =	shalt  }
0x7b: {  	_ =	shalt  }
0x7c: {  	_ =	shalt  }
0x7d: {  	_ =	shalt  }
0x7e: {  	_ =	shalt  }
0x7f: {  	_ =	shalt  }
0x80: {  	_ =	shalt  }
0x81: {  	_ =	shalt  }
0x82: {  	_ =	shalt  }
0x83: {  	_ =	shalt  }
0x84: {  	_ =	shalt  }
0x85: {  	_ =	shalt  }
0x86: {  	_ =	shalt  }
0x87: {  	_ =	shalt  }
.Lfunc_end0:
.L_simem_size_0:
called_computation_lowered:
.L_overlay_start_0:
0x88: {  	s2 =	sld [smem:$0x3FD9]  }
0x89: {  	s3 =	sld [smem:$0x3FFE];
	_ =	sdelay $0x1  }
0x8a: {  	s1 =	srdreg.scid  }
0x8b: {  	s0 =	sand.u32 $0x1, s1  }
0x8c: {  	s18 =	sshll.u32 s0, $0xA;
	s2 =	sadd.s32 s3, s2  }
0x8d: {  	s2 =	sadd.s32 s2, s18  }
0x8e: {  	[smem:$0x3FC6] =	sst s2  }
0x8f: {  	_ = 	snop  }
0x90: {  	s2 =	sld [smem:$0x3FC9]  }
0x91: {  	s19 =	sld [smem:$0x3FC8]  }
0x92: {  	s4 =	sld [smem:$0x3FD0];
	(tm) =	ssettm $0x1  }
0x93: {  	s5 =	sld [smem:$0x3FFB];
	_ =	sdelay $0x3  }
0x94: {  	_ =	strace s5  }
0x95: {  	s5 =	sld [smem:$0x3FFC];
	_ =	sdelay $0x3  }
0x96: {  	_ =	strace s5  }
0x97: {  	s5 =	sld [smem:$0x3FFD];
	_ =	sdelay $0x3  }
0x98: {  	_ =	strace s5  }
0x99: {  	_ =	strace $0x8FFFFFFF  }
0x9a: {  	s20 =	sld [smem:$0x3FDB];
	_ =	sdelay $0x1  }
0x9b: {  	s6 =	simm.s32 $_scs_section_size  }
0x9c: {  	s7 =	simm.s32 $_size__tile_overlayer_lowered;
	s8 =	simm.s32 $_tile_overlayer_lowered  }
0x9d: {  	s23 =	simm.s32 $0x1BFF;
	s22 =	sshll.u32 s8, $0x1;
	s5 =	sadd.s32 s6, s20  }
0x9e: {  	s9 =	simm.s32 $0x0;
	s21 =	sshll.u32 s7, $0x1;
	s7 =	sadd.s32 s22, s5  }
0x9f: {  	[timem:s9], [sflag:s23] =	dma.local [hbm:s7], s21  }
0xa0: {  	_ =	swait.ge [sflag:s23], s21  }
0xa1: {  	s6 =	ssub.s32 $0x0, s21;
	[sflag:s23] =	ssyncset.done $0x0  }
0xa2: {  	[sflag:s23] =	ssyncadd.s32 s6;
	_ =	sdelay $0x1  }
0xa3: {  	s24 =	simm.s32 $0x1B8B  }
0xa4: {  	_ =	swait.ge [sflag:s24], $0x1  }
0xa5: {  	[sflag:s24] =	ssyncset.done $0x0  }
0xa6: {  	s25 =	simm.s32 $0x1B8E;
	[sflag:s24] =	ssyncadd.s32 $0xFFFFFFFF  }
0xa7: {  	s26 =	simm.s32 $execute0_lowered;
	[smem:$0x3FD2] =	sst s25  }
0xa8: {  	s6 =	sshll.u32 s26, $0x1;
	_ =	strace $0x80000046;
	[dreg:$0x1] =	wrdreg $0xFFFFFFFF  }
0xa9: {  	s28 =	simm.s32 $_size_execute0_lowered;
	s5 =	sadd.s32 s5, s6;
	[dreg:$0x0] =	wrdreg $0x0  }
0xaa: {  	s6 =	sshll.u32 s28, $0x1;
	[dreg:$0x2] =	wrdreg s5  }
0xab: {  	[dreg:$0x3] =	wrdreg s6  }
0xac: {  	[dreg:$0x4] =	wrdreg $0xC0  }
0xad: {  	_ =	task [dreg:s9], $0x5FFFF  }
0xae: {  	[dreg:$0x1] =	wrdreg $0xFFFFFFFF  }
0xaf: {  	[dreg:$0x0] =	wrdreg $0x60  }
0xb0: {  	[dreg:$0x2] =	wrdreg s2  }
0xb1: {  	[dreg:$0x3] =	wrdreg s19  }
0xb2: {  	[dreg:$0x4] =	wrdreg s4  }
0xb3: {  	[dreg:$0x5] =	wrdreg $0x9  }
0xb4: {  	_ =	task.clear_ibuf [dreg:s9], $0x6FFFF;
	_ =	strace $0x90000046  }
0xb5: {  	s29 =	simm.s32 $0x9;
	_ =	strace $0x80000048  }
0xb6: {  	_ =	swait.ge [sflag:s29], $0x1  }
0xb7: {  	[sflag:s29] =	ssyncadd.s32 $0xFFFFFFFF  }
0xb8: {  	_ =	strace $0x90000048  }
0xb9: {  	_ =	sfence  }
0xba: {  	s30 =	sld [smem:$0x0];
	_ =	sdelay $0x2  }
0xbb: {  	s31 =	sshll.u32 s1, $0xD;
	s1 =	sshrl.u32 s1, $0x2  }
0xbc: {  	s3 =	sand.u32 $0x4000, s31;
	s1 =	sadd.s32 s1, s30  }
0xbd: {  	s0 =	sor.u32 s3, s0;
	s1 =	sshll.u32 s1, $0x11  }
0xbe: {  	s0 =	sor.u32 s1, s0  }
0xbf: {  	s0 =	sadd.s32 $0x8F2B, s0  }
0xc0: {  	[sflag:s0] =	ssyncadd.remote.s32 $0x1  }
0xc1: {  	_ =	sfence.sel $0xFFFF  }
0xc2: {  	[dreg:$0x0] =	wrdreg $0xFFFFFFFF;
	(pc) =	sbr.abs _section_cstart, $3  }
0xc3: {  	[dreg:$0x1] =	wrdreg $0xFFFFFFFF  }
0xc4: {  	_ =	task.clear_ibuf [dreg:s9], $0x2FFFF;
	_ =	strace $0x9FFFFFFF  }
0xc5: {  	(tm) =	ssettm $0x7FFFFFFF  }
tec
execute0_lowered:
.L_overlay_start_1:
0x0: {  	(tag) =	ssettag $0x1  }
0x1: {  	s1 =	rddreg [dreg:$0x0]  }
0x2: {  	s0 =	rddreg [dreg:$0x1]  }
0x3: {  	s2 =	rddreg [dreg:$0x2];
	s4 =	simm.s32 $0x0;
	s3 =	srdreg.scid  }
0x4: {  	s6 =	stileid.u32;
	s12 =	simm.s32 $0x80;
	s13 =	simm.s32 $0x400  }
0x5: {  	s14 =	simm.s32 $0x9;
	s15 =	simm.s32 $0x1000;
	s16 =	simm.s32 $0x5000  }
0x6: {  	s17 =	simm.s32 $0x9000;
	s18 =	simm.s32 $0xD000;
	s19 =	simm.s32 $0x1  }
0x7: {  	s28 =	simm.s32 $0x5;
	s29 =	simm.s32 $0x6;
	s30 =	simm.s32 $0x7  }
0x8: {  	s31 =	simm.s32 $0x8;
	[smem:$0x7FF] =	sst s4;
	s3 =	sand.u32 $0x1, s3  }
0x9: {  	s20 =	sshll.u32 s6, $0x7;
	s21 =	sshll.u32 s6, $0x3;
	_ =	strace $0x80000047  }
0xa: {  	s5 =	sshll.u32 s3, $0x6;
	s3 =	ssub.s32 $0x2, s3;
	s4 =	sand.u32 $0x70, s21  }
0xb: {  	s21 =	simm.s32 $0x2;
	s5 =	sor.u32 s5, s20;
	s22 =	sshrl.u32 s3, $0x1  }
0xc: {  	s0 =	sadd.s32 s0, s4;
	s7 =	sshll.u32 s5, $0xB;
	s3 =	ssub.s32 s3, s22  }
0xd: {  	[dreg:$0x4] =	wrdreg s0;
	s7 =	sadd.s32 s1, s7;
	s26 =	smax.u32 s3, $0x1  }
.Ltmp0:
0xe: {  	s23 =	sadd.s32 $0x10, s7;
	[dreg:$0x8] =	wrdreg s26;
	(pc) =	sbr.rel .LBB2_1-.Ltmp0, $4  }
0xf: {  	s20 =	simm.s32 $0x11000;
	s24 =	sadd.s32 $0x20, s7;
	[dreg:$0x5] =	wrdreg s23  }
0x10: {  	s22 =	simm.s32 $0x12000;
	s25 =	sadd.s32 $0x30, s7;
	[dreg:$0x6] =	wrdreg s24  }
0x11: {  	s0 =	simm.s32 $0x0;
	s26 =	simm.s32 $0x14000;
	[dreg:$0x7] =	wrdreg s25  }
0x12: {  	s23 =	simm.s32 $0x3;
	s24 =	simm.s32 $0x13000;
	s25 =	simm.s32 $0x4  }
.LBB2_12:
0x13: {  	_ =	swait.ge [sflag:s28], $0x1000  }
0x14: {  	[sflag:s28] =	ssyncset.done $0x0  }
0x15: {  	[sflag:s28] =	ssyncadd.s32 $0xFFFFF000  }
0x16: {  	_ =	swait.ge [sflag:s29], $0x1000  }
0x17: {  	[sflag:s29] =	ssyncset.done $0x0  }
0x18: {  	[sflag:s29] =	ssyncadd.s32 $0xFFFFF000  }
0x19: {  	_ =	swait.ge [sflag:s30], $0x1000  }
0x1a: {  	[sflag:s30] =	ssyncset.done $0x0  }
0x1b: {  	[sflag:s30] =	ssyncadd.s32 $0xFFFFF000  }
0x1c: {  	_ =	swait.ge [sflag:s31], $0x1000  }
0x1d: {  	s0 =	sadd.s32 $0x1, s0;
	s3 =	rddreg [dreg:$0x8]  }
0x1e: {  	p0 =	sne.s32 s0, s3  }
.Ltmp1:
0x1f: {  	_ = 	snop;
	(pc) =	sbr.rel @!p0 .LBB2_13-.Ltmp1, $3  }
0x20: {  	_ =	sdelay $0x1  }
0x21: {  	[sflag:s31] =	ssyncset.done $0x0  }
0x22: {  	[sflag:s31] =	ssyncadd.s32 $0xFFFFF000  }
.LBB2_1:
0x23: {  	s3 =	simm.s32 $0x0;
	s4 =	rddreg [dreg:$0x4]  }
0x24: {  	[tilespmem:s3], [sflag:$0x9] =	stream.strided.gather [hbm4b:s4+s12], $0x1000, s13, s12, $0x38;
	[tilespmem:$0x15000] =	vst v63  }
0x25: {  	_ =	swait.ge [sflag:s14], $0x1000  }
0x26: {  	[sflag:s14] =	ssyncset.done $0x0  }
0x27: {  	[sflag:s14] =	ssyncadd.s32 $0xFFFFF000  }
0x28: {  	[tilespmem:s15], [sflag:$0x1] =	stream.strided.gather [hbm4b:s7+s12], $0x4000, s13, s12, $0x38;
	[tilespmem:$0x15000] =	vst v63  }
0x29: {  	s9 =	rddreg [dreg:$0x5]  }
0x2a: {  	[tilespmem:s16], [sflag:$0x2] =	stream.strided.gather [hbm4b:s9+s12], $0x4000, s13, s12, $0x38;
	[tilespmem:$0x15000] =	vst v63  }
0x2b: {  	s10 =	rddreg [dreg:$0x6]  }
0x2c: {  	[tilespmem:s17], [sflag:$0x3] =	stream.strided.gather [hbm4b:s10+s12], $0x4000, s13, s12, $0x38;
	[tilespmem:$0x15000] =	vst v63  }
0x2d: {  	s3 =	simm.s32 $0x0;
	s11 =	rddreg [dreg:$0x7]  }
0x2e: {  	[tilespmem:s18], [sflag:$0x4] =	stream.strided.gather [hbm4b:s11+s12], $0x4000, s13, s12, $0x38;
	[tilespmem:$0x15000] =	vst v63  }
.LBB2_2:
0x2f: {  	_ =	swait.ge [sflag:s19], $0x4000  }
0x30: {  	p0 =	seq.s32 s3, $0x0;
	[sflag:s19] =	ssyncset.done $0x0  }
0x31: {  	s4 =	simm.s32 @!p0 $0x5;
	[sflag:s19] =	ssyncadd.s32 $0xFFFFC000  }
0x32: {  	_ =	swait.ge @!p0 [sflag:s4], $0x1000  }
0x33: {  	[sflag:s4] =	ssyncset.done @!p0 $0x0  }
0x34: {  	s11 =	simm.s32 $0x80;
	[sflag:s4] =	ssyncadd.s32 @!p0 $0xFFFFF000  }
0x35: {  	v0 =	vld [tilespmem:s11+$0x70]  }
0x36: {  	v1 =	vld [tilespmem:s11+$0xFFFFFF90]  }
0x37: {  	v2 =	vld [tilespmem:s11+$0xFFFFFFA0]  }
0x38: {  	v3 =	vld [tilespmem:s11+$0xFFFFFFB0]  }
0x39: {  	v4 =	vld [tilespmem:s11+$0xFFFFFFC0]  }
0x3a: {  	v5 =	vld [tilespmem:s11+$0xFFFFFFD0]  }
0x3b: {  	v6 =	vld [tilespmem:s11+$0xFFFFFFE0]  }
0x3c: {  	v7 =	vld [tilespmem:s11+$0xFFFFFFF0]  }
0x3d: {  	v8 =	vld [tilespmem:s11+$0x0]  }
0x3e: {  	v9 =	vld [tilespmem:s11+$0x10]  }
0x3f: {  	v10 =	vld [tilespmem:s11+$0x20]  }
0x40: {  	v11 =	vld [tilespmem:s11+$0x30]  }
0x41: {  	v12 =	vld [tilespmem:s11+$0x40]  }
0x42: {  	v13 =	vld [tilespmem:s11+$0x50]  }
0x43: {  	v14 =	vld [tilespmem:s11+$0x60]  }
0x44: {  	v15 =	vld [tilespmem:s11+$0xFFFFFF80]  }
0x45: {  	v0 =	vld.idx.msk [tilespmem:v0+s15+$0x0], $0xffff  }
0x46: {  	v1 =	vld.idx.msk [tilespmem:v1+s15+$0x0], $0xffff  }
0x47: {  	v2 =	vld.idx.msk [tilespmem:v2+s15+$0x0], $0xffff  }
0x48: {  	v3 =	vld.idx.msk [tilespmem:v3+s15+$0x0], $0xffff  }
0x49: {  	v4 =	vld.idx.msk [tilespmem:v4+s15+$0x0], $0xffff  }
0x4a: {  	s6 =	simm.s32 $0x11080;
	v5 =	vld.idx.msk [tilespmem:v5+s15+$0x0], $0xffff  }
0x4b: {  	v6 =	vld.idx.msk [tilespmem:v6+s15+$0x0], $0xffff;
	[tilespmem:s6+$0x70] =	vst v0  }
0x4c: {  	v7 =	vld.idx.msk [tilespmem:v7+s15+$0x0], $0xffff;
	[tilespmem:s6+$0xFFFFFF90] =	vst v1  }
0x4d: {  	v15 =	vld.idx.msk [tilespmem:v15+s15+$0x0], $0xffff;
	[tilespmem:s6+$0xFFFFFFA0] =	vst v2  }
0x4e: {  	v8 =	vld.idx.msk [tilespmem:v8+s15+$0x0], $0xffff;
	[tilespmem:s6+$0xFFFFFFB0] =	vst v3  }
0x4f: {  	[tilespmem:s6+$0xFFFFFFC0] =	vst v4;
	v0 =	vld.idx.msk [tilespmem:v9+s15+$0x0], $0xffff  }
0x50: {  	[tilespmem:s6+$0xFFFFFFD0] =	vst v5;
	v1 =	vld.idx.msk [tilespmem:v10+s15+$0x0], $0xffff  }
0x51: {  	[tilespmem:s6+$0xFFFFFFE0] =	vst v6;
	v2 =	vld.idx.msk [tilespmem:v11+s15+$0x0], $0xffff  }
0x52: {  	[tilespmem:s6+$0xFFFFFFF0] =	vst v7;
	v3 =	vld.idx.msk [tilespmem:v12+s15+$0x0], $0xffff  }
0x53: {  	s9 =	sshll.u32 s3, $0x6;
	s10 =	simm.s32 $0x0;
	s4 =	sshll.u32 s3, $0x2;
	[tilespmem:s6+$0xFFFFFF80] =	vst v15;
	v4 =	vld.idx.msk [tilespmem:v13+s15+$0x0], $0xffff  }
0x54: {  	s9 =	sand.u32 $0x40, s9;
	s8 =	sor.u32 s5, s4;
	s11 =	simm.s32 $0x180;
	[tilespmem:s6+$0x0] =	vst v8;
	v5 =	vld.idx.msk [tilespmem:v14+s15+$0x0], $0xffff  }
.LBB2_3:
0x55: {  	v6 =	vld [tilespmem:s11+$0x70];
	s10 =	sadd.s32 $0x100, s10;
	[tilespmem:s6+$0x10] =	vst v0  }
0x56: {  	v0 =	vld [tilespmem:s11+$0xFFFFFF90];
	p1 =	slt.u32 s10, $0xF00;
	[tilespmem:s6+$0x20] =	vst v1  }
0x57: {  	v1 =	vld [tilespmem:s11+$0xFFFFFFA0];
	[tilespmem:s6+$0x30] =	vst v2  }
0x58: {  	v2 =	vld [tilespmem:s11+$0xFFFFFFB0];
	[tilespmem:s6+$0x40] =	vst v3  }
0x59: {  	v3 =	vld [tilespmem:s11+$0xFFFFFFC0];
	[tilespmem:s6+$0x50] =	vst v4  }
0x5a: {  	v4 =	vld [tilespmem:s11+$0xFFFFFFD0];
	[tilespmem:s6+$0x60] =	vst v5  }
0x5b: {  	v5 =	vld [tilespmem:s11+$0xFFFFFFE0]  }
0x5c: {  	v7 =	vld [tilespmem:s11+$0xFFFFFFF0]  }
0x5d: {  	v6 =	vld.idx.msk [tilespmem:v6+s15+$0x0], $0xffff  }
0x5e: {  	v8 =	vld [tilespmem:s11+$0x0]  }
0x5f: {  	v9 =	vld [tilespmem:s11+$0x10]  }
0x60: {  	v10 =	vld [tilespmem:s11+$0x20]  }
0x61: {  	v11 =	vld [tilespmem:s11+$0x30]  }
0x62: {  	s6 =	sadd.s32 $0x100, s6;
	v12 =	vld [tilespmem:s11+$0x40]  }
0x63: {  	v13 =	vld [tilespmem:s11+$0x50];
	[tilespmem:s6+$0x70] =	vst v6  }
0x64: {  	v6 =	vld [tilespmem:s11+$0x60]  }
0x65: {  	v14 =	vld [tilespmem:s11+$0xFFFFFF80]  }
0x66: {  	v0 =	vld.idx.msk [tilespmem:v0+s15+$0x0], $0xffff  }
0x67: {  	v1 =	vld.idx.msk [tilespmem:v1+s15+$0x0], $0xffff  }
0x68: {  	v2 =	vld.idx.msk [tilespmem:v2+s15+$0x0], $0xffff  }
0x69: {  	v3 =	vld.idx.msk [tilespmem:v3+s15+$0x0], $0xffff  }
0x6a: {  	v4 =	vld.idx.msk [tilespmem:v4+s15+$0x0], $0xffff  }
0x6b: {  	v5 =	vld.idx.msk [tilespmem:v5+s15+$0x0], $0xffff  }
0x6c: {  	[tilespmem:s6+$0xFFFFFF90] =	vst v0;
	v7 =	vld.idx.msk [tilespmem:v7+s15+$0x0], $0xffff  }
0x6d: {  	v14 =	vld.idx.msk [tilespmem:v14+s15+$0x0], $0xffff;
	[tilespmem:s6+$0xFFFFFFA0] =	vst v1  }
0x6e: {  	[tilespmem:s6+$0xFFFFFFB0] =	vst v2;
	v8 =	vld.idx.msk [tilespmem:v8+s15+$0x0], $0xffff  }
0x6f: {  	[tilespmem:s6+$0xFFFFFFC0] =	vst v3;
	v0 =	vld.idx.msk [tilespmem:v9+s15+$0x0], $0xffff  }
.Ltmp2:
0x70: {  	[tilespmem:s6+$0xFFFFFFD0] =	vst v4;
	v1 =	vld.idx.msk [tilespmem:v10+s15+$0x0], $0xffff;
	(pc) =	sbr.rel @p1 .LBB2_3-.Ltmp2, $4  }
0x71: {  	[tilespmem:s6+$0xFFFFFFE0] =	vst v5;
	v2 =	vld.idx.msk [tilespmem:v11+s15+$0x0], $0xffff  }
0x72: {  	[tilespmem:s6+$0xFFFFFFF0] =	vst v7;
	v3 =	vld.idx.msk [tilespmem:v12+s15+$0x0], $0xffff  }
0x73: {  	[tilespmem:s6+$0xFFFFFF80] =	vst v14;
	v4 =	vld.idx.msk [tilespmem:v13+s15+$0x0], $0xffff  }
0x74: {  	s11 =	sadd.s32 $0x100, s11;
	[tilespmem:s6+$0x0] =	vst v8;
	v5 =	vld.idx.msk [tilespmem:v6+s15+$0x0], $0xffff  }
0x75: {  	[tilespmem:s6+$0x10] =	vst v0  }
0x76: {  	[tilespmem:s6+$0x20] =	vst v1  }
0x77: {  	[tilespmem:s6+$0x30] =	vst v2  }
0x78: {  	s10 =	sshll.u32 s8, $0x9;
	[tilespmem:s6+$0x40] =	vst v3  }
0x79: {  	s9 =	sadd.s32 s2, s9;
	p1 =	seq.s32 s3, $0xF;
	s10 =	sand.u32 $0xFF000, s10;
	[tilespmem:s6+$0x50] =	vst v4  }
0x7a: {  	s9 =	sadd.s32 s10, s9;
	[tilespmem:s6+$0x60] =	vst v5;
	s6 =	sadd.s32 @!p1 $0x4, s8  }
0x7b: {  	[hbm4b:s9+s12] =	stream.strided.scatter [tilespmem:s20], [sflag:$0x5], $0x1000, s13, s12, $0x38;
	[tilespmem:$0x15000] =	vst v63  }
0x7c: {  	s8 =	sshll.u32 @!p1 s6, $0x4  }
0x7d: {  	s6 =	sshll.u32 @!p1 s6, $0xB;
	s8 =	sand.u32 @!p1 $0x40, s8  }
0x7e: {  	s10 =	simm.s32 @!p1 $0x1000;
	s6 =	sand.u32 @!p1 $0xFFFC000, s6;
	s8 =	sadd.s32 @!p1 s1, s8  }
0x7f: {  	s9 =	simm.s32 @!p1 $0x400;
	s6 =	sadd.s32 @!p1 s6, s8;
	s8 =	simm.s32 @!p1 $0x80  }
0x80: {  	[tilespmem:s10], [sflag:$0x1] =	stream.strided.gather @!p1 [hbm4b:s6+s8], $0x4000, s9, s8, $0x38;
	[tilespmem:$0x15000] =	vst v63  }
0x81: {  	_ =	swait.ge [sflag:s21], $0x4000  }
0x82: {  	[sflag:s21] =	ssyncset.done $0x0  }
0x83: {  	s6 =	simm.s32 @!p0 $0x6;
	[sflag:s21] =	ssyncadd.s32 $0xFFFFC000  }
0x84: {  	_ =	swait.ge @!p0 [sflag:s6], $0x1000  }
0x85: {  	[sflag:s6] =	ssyncset.done @!p0 $0x0  }
0x86: {  	s10 =	simm.s32 $0x80;
	[sflag:s6] =	ssyncadd.s32 @!p0 $0xFFFFF000  }
0x87: {  	v0 =	vld [tilespmem:s10+$0x70]  }
0x88: {  	v1 =	vld [tilespmem:s10+$0xFFFFFF90]  }
0x89: {  	v2 =	vld [tilespmem:s10+$0xFFFFFFA0]  }
0x8a: {  	v3 =	vld [tilespmem:s10+$0xFFFFFFB0]  }
0x8b: {  	v4 =	vld [tilespmem:s10+$0xFFFFFFC0]  }
0x8c: {  	v5 =	vld [tilespmem:s10+$0xFFFFFFD0]  }
0x8d: {  	v6 =	vld [tilespmem:s10+$0xFFFFFFE0]  }
0x8e: {  	v7 =	vld [tilespmem:s10+$0xFFFFFFF0]  }
0x8f: {  	v8 =	vld [tilespmem:s10+$0x0]  }
0x90: {  	v9 =	vld [tilespmem:s10+$0x10]  }
0x91: {  	v10 =	vld [tilespmem:s10+$0x20]  }
0x92: {  	v11 =	vld [tilespmem:s10+$0x30]  }
0x93: {  	v12 =	vld [tilespmem:s10+$0x40]  }
0x94: {  	v13 =	vld [tilespmem:s10+$0x50]  }
0x95: {  	v14 =	vld [tilespmem:s10+$0x60]  }
0x96: {  	v15 =	vld [tilespmem:s10+$0xFFFFFF80]  }
0x97: {  	v0 =	vld.idx.msk [tilespmem:v0+s16+$0x0], $0xffff  }
0x98: {  	v1 =	vld.idx.msk [tilespmem:v1+s16+$0x0], $0xffff  }
0x99: {  	v2 =	vld.idx.msk [tilespmem:v2+s16+$0x0], $0xffff  }
0x9a: {  	v3 =	vld.idx.msk [tilespmem:v3+s16+$0x0], $0xffff  }
0x9b: {  	v4 =	vld.idx.msk [tilespmem:v4+s16+$0x0], $0xffff  }
0x9c: {  	s6 =	simm.s32 $0x12080;
	v5 =	vld.idx.msk [tilespmem:v5+s16+$0x0], $0xffff  }
0x9d: {  	v6 =	vld.idx.msk [tilespmem:v6+s16+$0x0], $0xffff;
	[tilespmem:s6+$0x70] =	vst v0  }
0x9e: {  	v7 =	vld.idx.msk [tilespmem:v7+s16+$0x0], $0xffff;
	[tilespmem:s6+$0xFFFFFF90] =	vst v1  }
0x9f: {  	v15 =	vld.idx.msk [tilespmem:v15+s16+$0x0], $0xffff;
	[tilespmem:s6+$0xFFFFFFA0] =	vst v2  }
0xa0: {  	v8 =	vld.idx.msk [tilespmem:v8+s16+$0x0], $0xffff;
	[tilespmem:s6+$0xFFFFFFB0] =	vst v3  }
0xa1: {  	[tilespmem:s6+$0xFFFFFFC0] =	vst v4;
	v0 =	vld.idx.msk [tilespmem:v9+s16+$0x0], $0xffff  }
0xa2: {  	[tilespmem:s6+$0xFFFFFFD0] =	vst v5;
	v1 =	vld.idx.msk [tilespmem:v10+s16+$0x0], $0xffff  }
0xa3: {  	[tilespmem:s6+$0xFFFFFFE0] =	vst v6;
	v2 =	vld.idx.msk [tilespmem:v11+s16+$0x0], $0xffff  }
0xa4: {  	s11 =	sor.u32 $0x1, s4;
	[tilespmem:s6+$0xFFFFFFF0] =	vst v7;
	v3 =	vld.idx.msk [tilespmem:v12+s16+$0x0], $0xffff  }
0xa5: {  	s8 =	sor.u32 s5, s11;
	s9 =	sshll.u32 s11, $0x4;
	[tilespmem:s6+$0xFFFFFF80] =	vst v15;
	v4 =	vld.idx.msk [tilespmem:v13+s16+$0x0], $0xffff  }
0xa6: {  	s11 =	simm.s32 $0x180;
	s9 =	sand.u32 $0x50, s9;
	s10 =	simm.s32 $0x0;
	[tilespmem:s6+$0x0] =	vst v8;
	v5 =	vld.idx.msk [tilespmem:v14+s16+$0x0], $0xffff  }
.LBB2_5:
0xa7: {  	v6 =	vld [tilespmem:s11+$0x70];
	s10 =	sadd.s32 $0x100, s10;
	[tilespmem:s6+$0x10] =	vst v0  }
0xa8: {  	v0 =	vld [tilespmem:s11+$0xFFFFFF90];
	p2 =	slt.u32 s10, $0xF00;
	[tilespmem:s6+$0x20] =	vst v1  }
0xa9: {  	v1 =	vld [tilespmem:s11+$0xFFFFFFA0];
	[tilespmem:s6+$0x30] =	vst v2  }
0xaa: {  	v2 =	vld [tilespmem:s11+$0xFFFFFFB0];
	[tilespmem:s6+$0x40] =	vst v3  }
0xab: {  	v3 =	vld [tilespmem:s11+$0xFFFFFFC0];
	[tilespmem:s6+$0x50] =	vst v4  }
0xac: {  	v4 =	vld [tilespmem:s11+$0xFFFFFFD0];
	[tilespmem:s6+$0x60] =	vst v5  }
0xad: {  	v5 =	vld [tilespmem:s11+$0xFFFFFFE0]  }
0xae: {  	v7 =	vld [tilespmem:s11+$0xFFFFFFF0]  }
0xaf: {  	v6 =	vld.idx.msk [tilespmem:v6+s16+$0x0], $0xffff  }
0xb0: {  	v8 =	vld [tilespmem:s11+$0x0]  }
0xb1: {  	v9 =	vld [tilespmem:s11+$0x10]  }
0xb2: {  	v10 =	vld [tilespmem:s11+$0x20]  }
0xb3: {  	v11 =	vld [tilespmem:s11+$0x30]  }
0xb4: {  	s6 =	sadd.s32 $0x100, s6;
	v12 =	vld [tilespmem:s11+$0x40]  }
0xb5: {  	v13 =	vld [tilespmem:s11+$0x50];
	[tilespmem:s6+$0x70] =	vst v6  }
0xb6: {  	v6 =	vld [tilespmem:s11+$0x60]  }
0xb7: {  	v14 =	vld [tilespmem:s11+$0xFFFFFF80]  }
0xb8: {  	v0 =	vld.idx.msk [tilespmem:v0+s16+$0x0], $0xffff  }
0xb9: {  	v1 =	vld.idx.msk [tilespmem:v1+s16+$0x0], $0xffff  }
0xba: {  	v2 =	vld.idx.msk [tilespmem:v2+s16+$0x0], $0xffff  }
0xbb: {  	v3 =	vld.idx.msk [tilespmem:v3+s16+$0x0], $0xffff  }
0xbc: {  	v4 =	vld.idx.msk [tilespmem:v4+s16+$0x0], $0xffff  }
0xbd: {  	v5 =	vld.idx.msk [tilespmem:v5+s16+$0x0], $0xffff  }
0xbe: {  	[tilespmem:s6+$0xFFFFFF90] =	vst v0;
	v7 =	vld.idx.msk [tilespmem:v7+s16+$0x0], $0xffff  }
0xbf: {  	v14 =	vld.idx.msk [tilespmem:v14+s16+$0x0], $0xffff;
	[tilespmem:s6+$0xFFFFFFA0] =	vst v1  }
0xc0: {  	[tilespmem:s6+$0xFFFFFFB0] =	vst v2;
	v8 =	vld.idx.msk [tilespmem:v8+s16+$0x0], $0xffff  }
0xc1: {  	[tilespmem:s6+$0xFFFFFFC0] =	vst v3;
	v0 =	vld.idx.msk [tilespmem:v9+s16+$0x0], $0xffff  }
.Ltmp3:
0xc2: {  	[tilespmem:s6+$0xFFFFFFD0] =	vst v4;
	v1 =	vld.idx.msk [tilespmem:v10+s16+$0x0], $0xffff;
	(pc) =	sbr.rel @p2 .LBB2_5-.Ltmp3, $4  }
0xc3: {  	[tilespmem:s6+$0xFFFFFFE0] =	vst v5;
	v2 =	vld.idx.msk [tilespmem:v11+s16+$0x0], $0xffff  }
0xc4: {  	[tilespmem:s6+$0xFFFFFFF0] =	vst v7;
	v3 =	vld.idx.msk [tilespmem:v12+s16+$0x0], $0xffff  }
0xc5: {  	[tilespmem:s6+$0xFFFFFF80] =	vst v14;
	v4 =	vld.idx.msk [tilespmem:v13+s16+$0x0], $0xffff  }
0xc6: {  	s11 =	sadd.s32 $0x100, s11;
	[tilespmem:s6+$0x0] =	vst v8;
	v5 =	vld.idx.msk [tilespmem:v6+s16+$0x0], $0xffff  }
0xc7: {  	[tilespmem:s6+$0x10] =	vst v0  }
0xc8: {  	[tilespmem:s6+$0x20] =	vst v1  }
0xc9: {  	[tilespmem:s6+$0x30] =	vst v2  }
0xca: {  	s10 =	sshll.u32 s8, $0x9;
	[tilespmem:s6+$0x40] =	vst v3  }
0xcb: {  	s9 =	sadd.s32 s2, s9;
	s10 =	sand.u32 $0xFF000, s10;
	[tilespmem:s6+$0x50] =	vst v4  }
0xcc: {  	s9 =	sadd.s32 s10, s9;
	[tilespmem:s6+$0x60] =	vst v5;
	s6 =	sadd.s32 @!p1 $0x4, s8  }
0xcd: {  	[hbm4b:s9+s12] =	stream.strided.scatter [tilespmem:s22], [sflag:$0x6], $0x1000, s13, s12, $0x38;
	[tilespmem:$0x15000] =	vst v63  }
0xce: {  	s8 =	sshll.u32 @!p1 s6, $0x4  }
0xcf: {  	s6 =	sshll.u32 @!p1 s6, $0xB;
	s8 =	sand.u32 @!p1 $0x50, s8  }
0xd0: {  	s10 =	simm.s32 @!p1 $0x5000;
	s6 =	sand.u32 @!p1 $0xFFFC000, s6;
	s8 =	sadd.s32 @!p1 s1, s8  }
0xd1: {  	s9 =	simm.s32 @!p1 $0x400;
	s6 =	sadd.s32 @!p1 s6, s8;
	s8 =	simm.s32 @!p1 $0x80  }
0xd2: {  	[tilespmem:s10], [sflag:$0x2] =	stream.strided.gather @!p1 [hbm4b:s6+s8], $0x4000, s9, s8, $0x38;
	[tilespmem:$0x15000] =	vst v63  }
0xd3: {  	_ =	swait.ge [sflag:s23], $0x4000  }
0xd4: {  	[sflag:s23] =	ssyncset.done $0x0  }
0xd5: {  	s6 =	simm.s32 @!p0 $0x7;
	[sflag:s23] =	ssyncadd.s32 $0xFFFFC000  }
0xd6: {  	_ =	swait.ge @!p0 [sflag:s6], $0x1000  }
0xd7: {  	[sflag:s6] =	ssyncset.done @!p0 $0x0  }
0xd8: {  	s10 =	simm.s32 $0x80;
	[sflag:s6] =	ssyncadd.s32 @!p0 $0xFFFFF000  }
0xd9: {  	v0 =	vld [tilespmem:s10+$0x70]  }
0xda: {  	v1 =	vld [tilespmem:s10+$0xFFFFFF90]  }
0xdb: {  	v2 =	vld [tilespmem:s10+$0xFFFFFFA0]  }
0xdc: {  	v3 =	vld [tilespmem:s10+$0xFFFFFFB0]  }
0xdd: {  	v4 =	vld [tilespmem:s10+$0xFFFFFFC0]  }
0xde: {  	v5 =	vld [tilespmem:s10+$0xFFFFFFD0]  }
0xdf: {  	v6 =	vld [tilespmem:s10+$0xFFFFFFE0]  }
0xe0: {  	v7 =	vld [tilespmem:s10+$0xFFFFFFF0]  }
0xe1: {  	v8 =	vld [tilespmem:s10+$0x0]  }
0xe2: {  	v9 =	vld [tilespmem:s10+$0x10]  }
0xe3: {  	v10 =	vld [tilespmem:s10+$0x20]  }
0xe4: {  	v11 =	vld [tilespmem:s10+$0x30]  }
0xe5: {  	v12 =	vld [tilespmem:s10+$0x40]  }
0xe6: {  	v13 =	vld [tilespmem:s10+$0x50]  }
0xe7: {  	v14 =	vld [tilespmem:s10+$0x60]  }
0xe8: {  	v15 =	vld [tilespmem:s10+$0xFFFFFF80]  }
0xe9: {  	v0 =	vld.idx.msk [tilespmem:v0+s17+$0x0], $0xffff  }
0xea: {  	v1 =	vld.idx.msk [tilespmem:v1+s17+$0x0], $0xffff  }
0xeb: {  	v2 =	vld.idx.msk [tilespmem:v2+s17+$0x0], $0xffff  }
0xec: {  	v3 =	vld.idx.msk [tilespmem:v3+s17+$0x0], $0xffff  }
0xed: {  	v4 =	vld.idx.msk [tilespmem:v4+s17+$0x0], $0xffff  }
0xee: {  	s6 =	simm.s32 $0x13080;
	v5 =	vld.idx.msk [tilespmem:v5+s17+$0x0], $0xffff  }
0xef: {  	v6 =	vld.idx.msk [tilespmem:v6+s17+$0x0], $0xffff;
	[tilespmem:s6+$0x70] =	vst v0  }
0xf0: {  	v7 =	vld.idx.msk [tilespmem:v7+s17+$0x0], $0xffff;
	[tilespmem:s6+$0xFFFFFF90] =	vst v1  }
0xf1: {  	v15 =	vld.idx.msk [tilespmem:v15+s17+$0x0], $0xffff;
	[tilespmem:s6+$0xFFFFFFA0] =	vst v2  }
0xf2: {  	v8 =	vld.idx.msk [tilespmem:v8+s17+$0x0], $0xffff;
	[tilespmem:s6+$0xFFFFFFB0] =	vst v3  }
0xf3: {  	[tilespmem:s6+$0xFFFFFFC0] =	vst v4;
	v0 =	vld.idx.msk [tilespmem:v9+s17+$0x0], $0xffff  }
0xf4: {  	[tilespmem:s6+$0xFFFFFFD0] =	vst v5;
	v1 =	vld.idx.msk [tilespmem:v10+s17+$0x0], $0xffff  }
0xf5: {  	[tilespmem:s6+$0xFFFFFFE0] =	vst v6;
	v2 =	vld.idx.msk [tilespmem:v11+s17+$0x0], $0xffff  }
0xf6: {  	s11 =	sor.u32 $0x2, s4;
	[tilespmem:s6+$0xFFFFFFF0] =	vst v7;
	v3 =	vld.idx.msk [tilespmem:v12+s17+$0x0], $0xffff  }
0xf7: {  	s8 =	sor.u32 s5, s11;
	s9 =	sshll.u32 s11, $0x4;
	[tilespmem:s6+$0xFFFFFF80] =	vst v15;
	v4 =	vld.idx.msk [tilespmem:v13+s17+$0x0], $0xffff  }
0xf8: {  	s11 =	simm.s32 $0x180;
	s9 =	sand.u32 $0x60, s9;
	s10 =	simm.s32 $0x0;
	[tilespmem:s6+$0x0] =	vst v8;
	v5 =	vld.idx.msk [tilespmem:v14+s17+$0x0], $0xffff  }
.LBB2_7:
0xf9: {  	v6 =	vld [tilespmem:s11+$0x70];
	s10 =	sadd.s32 $0x100, s10;
	[tilespmem:s6+$0x10] =	vst v0  }
0xfa: {  	v0 =	vld [tilespmem:s11+$0xFFFFFF90];
	p2 =	slt.u32 s10, $0xF00;
	[tilespmem:s6+$0x20] =	vst v1  }
0xfb: {  	v1 =	vld [tilespmem:s11+$0xFFFFFFA0];
	[tilespmem:s6+$0x30] =	vst v2  }
0xfc: {  	v2 =	vld [tilespmem:s11+$0xFFFFFFB0];
	[tilespmem:s6+$0x40] =	vst v3  }
0xfd: {  	v3 =	vld [tilespmem:s11+$0xFFFFFFC0];
	[tilespmem:s6+$0x50] =	vst v4  }
0xfe: {  	v4 =	vld [tilespmem:s11+$0xFFFFFFD0];
	[tilespmem:s6+$0x60] =	vst v5  }
0xff: {  	v5 =	vld [tilespmem:s11+$0xFFFFFFE0]  }
0x100: {  	v7 =	vld [tilespmem:s11+$0xFFFFFFF0]  }
0x101: {  	v6 =	vld.idx.msk [tilespmem:v6+s17+$0x0], $0xffff  }
0x102: {  	v8 =	vld [tilespmem:s11+$0x0]  }
0x103: {  	v9 =	vld [tilespmem:s11+$0x10]  }
0x104: {  	v10 =	vld [tilespmem:s11+$0x20]  }
0x105: {  	v11 =	vld [tilespmem:s11+$0x30]  }
0x106: {  	s6 =	sadd.s32 $0x100, s6;
	v12 =	vld [tilespmem:s11+$0x40]  }
0x107: {  	v13 =	vld [tilespmem:s11+$0x50];
	[tilespmem:s6+$0x70] =	vst v6  }
0x108: {  	v6 =	vld [tilespmem:s11+$0x60]  }
0x109: {  	v14 =	vld [tilespmem:s11+$0xFFFFFF80]  }
0x10a: {  	v0 =	vld.idx.msk [tilespmem:v0+s17+$0x0], $0xffff  }
0x10b: {  	v1 =	vld.idx.msk [tilespmem:v1+s17+$0x0], $0xffff  }
0x10c: {  	v2 =	vld.idx.msk [tilespmem:v2+s17+$0x0], $0xffff  }
0x10d: {  	v3 =	vld.idx.msk [tilespmem:v3+s17+$0x0], $0xffff  }
0x10e: {  	v4 =	vld.idx.msk [tilespmem:v4+s17+$0x0], $0xffff  }
0x10f: {  	v5 =	vld.idx.msk [tilespmem:v5+s17+$0x0], $0xffff  }
0x110: {  	[tilespmem:s6+$0xFFFFFF90] =	vst v0;
	v7 =	vld.idx.msk [tilespmem:v7+s17+$0x0], $0xffff  }
0x111: {  	v14 =	vld.idx.msk [tilespmem:v14+s17+$0x0], $0xffff;
	[tilespmem:s6+$0xFFFFFFA0] =	vst v1  }
0x112: {  	[tilespmem:s6+$0xFFFFFFB0] =	vst v2;
	v8 =	vld.idx.msk [tilespmem:v8+s17+$0x0], $0xffff  }
0x113: {  	[tilespmem:s6+$0xFFFFFFC0] =	vst v3;
	v0 =	vld.idx.msk [tilespmem:v9+s17+$0x0], $0xffff  }
.Ltmp4:
0x114: {  	[tilespmem:s6+$0xFFFFFFD0] =	vst v4;
	v1 =	vld.idx.msk [tilespmem:v10+s17+$0x0], $0xffff;
	(pc) =	sbr.rel @p2 .LBB2_7-.Ltmp4, $4  }
0x115: {  	[tilespmem:s6+$0xFFFFFFE0] =	vst v5;
	v2 =	vld.idx.msk [tilespmem:v11+s17+$0x0], $0xffff  }
0x116: {  	[tilespmem:s6+$0xFFFFFFF0] =	vst v7;
	v3 =	vld.idx.msk [tilespmem:v12+s17+$0x0], $0xffff  }
0x117: {  	[tilespmem:s6+$0xFFFFFF80] =	vst v14;
	v4 =	vld.idx.msk [tilespmem:v13+s17+$0x0], $0xffff  }
0x118: {  	s11 =	sadd.s32 $0x100, s11;
	[tilespmem:s6+$0x0] =	vst v8;
	v5 =	vld.idx.msk [tilespmem:v6+s17+$0x0], $0xffff  }
0x119: {  	[tilespmem:s6+$0x10] =	vst v0  }
0x11a: {  	[tilespmem:s6+$0x20] =	vst v1  }
0x11b: {  	[tilespmem:s6+$0x30] =	vst v2  }
0x11c: {  	s10 =	sshll.u32 s8, $0x9;
	[tilespmem:s6+$0x40] =	vst v3  }
0x11d: {  	s9 =	sadd.s32 s2, s9;
	s10 =	sand.u32 $0xFF000, s10;
	[tilespmem:s6+$0x50] =	vst v4  }
0x11e: {  	s9 =	sadd.s32 s10, s9;
	[tilespmem:s6+$0x60] =	vst v5;
	s6 =	sadd.s32 @!p1 $0x4, s8  }
0x11f: {  	[hbm4b:s9+s12] =	stream.strided.scatter [tilespmem:s24], [sflag:$0x7], $0x1000, s13, s12, $0x38;
	[tilespmem:$0x15000] =	vst v63  }
0x120: {  	s8 =	sshll.u32 @!p1 s6, $0x4  }
0x121: {  	s6 =	sshll.u32 @!p1 s6, $0xB;
	s8 =	sand.u32 @!p1 $0x60, s8  }
0x122: {  	s10 =	simm.s32 @!p1 $0x9000;
	s6 =	sand.u32 @!p1 $0xFFFC000, s6;
	s8 =	sadd.s32 @!p1 s1, s8  }
0x123: {  	s9 =	simm.s32 @!p1 $0x400;
	s6 =	sadd.s32 @!p1 s6, s8;
	s8 =	simm.s32 @!p1 $0x80  }
0x124: {  	[tilespmem:s10], [sflag:$0x3] =	stream.strided.gather @!p1 [hbm4b:s6+s8], $0x4000, s9, s8, $0x38;
	[tilespmem:$0x15000] =	vst v63  }
0x125: {  	_ =	swait.ge [sflag:s25], $0x4000  }
0x126: {  	[sflag:s25] =	ssyncset.done $0x0  }
0x127: {  	s6 =	simm.s32 @!p0 $0x8;
	[sflag:s25] =	ssyncadd.s32 $0xFFFFC000  }
0x128: {  	_ =	swait.ge @!p0 [sflag:s6], $0x1000  }
0x129: {  	[sflag:s6] =	ssyncset.done @!p0 $0x0  }
0x12a: {  	s10 =	simm.s32 $0x80;
	[sflag:s6] =	ssyncadd.s32 @!p0 $0xFFFFF000  }
0x12b: {  	v0 =	vld [tilespmem:s10+$0x70]  }
0x12c: {  	v1 =	vld [tilespmem:s10+$0xFFFFFF90]  }
0x12d: {  	v2 =	vld [tilespmem:s10+$0xFFFFFFA0]  }
0x12e: {  	v3 =	vld [tilespmem:s10+$0xFFFFFFB0]  }
0x12f: {  	v4 =	vld [tilespmem:s10+$0xFFFFFFC0]  }
0x130: {  	v5 =	vld [tilespmem:s10+$0xFFFFFFD0]  }
0x131: {  	v6 =	vld [tilespmem:s10+$0xFFFFFFE0]  }
0x132: {  	v7 =	vld [tilespmem:s10+$0xFFFFFFF0]  }
0x133: {  	v8 =	vld [tilespmem:s10+$0x0]  }
0x134: {  	v9 =	vld [tilespmem:s10+$0x10]  }
0x135: {  	v10 =	vld [tilespmem:s10+$0x20]  }
0x136: {  	v11 =	vld [tilespmem:s10+$0x30]  }
0x137: {  	v12 =	vld [tilespmem:s10+$0x40]  }
0x138: {  	v13 =	vld [tilespmem:s10+$0x50]  }
0x139: {  	v14 =	vld [tilespmem:s10+$0x60]  }
0x13a: {  	v15 =	vld [tilespmem:s10+$0xFFFFFF80]  }
0x13b: {  	v0 =	vld.idx.msk [tilespmem:v0+s18+$0x0], $0xffff  }
0x13c: {  	v1 =	vld.idx.msk [tilespmem:v1+s18+$0x0], $0xffff  }
0x13d: {  	v2 =	vld.idx.msk [tilespmem:v2+s18+$0x0], $0xffff  }
0x13e: {  	v3 =	vld.idx.msk [tilespmem:v3+s18+$0x0], $0xffff  }
0x13f: {  	v4 =	vld.idx.msk [tilespmem:v4+s18+$0x0], $0xffff  }
0x140: {  	s6 =	simm.s32 $0x14080;
	v5 =	vld.idx.msk [tilespmem:v5+s18+$0x0], $0xffff  }
0x141: {  	v6 =	vld.idx.msk [tilespmem:v6+s18+$0x0], $0xffff;
	[tilespmem:s6+$0x70] =	vst v0  }
0x142: {  	v7 =	vld.idx.msk [tilespmem:v7+s18+$0x0], $0xffff;
	[tilespmem:s6+$0xFFFFFF90] =	vst v1  }
0x143: {  	v15 =	vld.idx.msk [tilespmem:v15+s18+$0x0], $0xffff;
	[tilespmem:s6+$0xFFFFFFA0] =	vst v2  }
0x144: {  	v8 =	vld.idx.msk [tilespmem:v8+s18+$0x0], $0xffff;
	[tilespmem:s6+$0xFFFFFFB0] =	vst v3  }
0x145: {  	[tilespmem:s6+$0xFFFFFFC0] =	vst v4;
	v0 =	vld.idx.msk [tilespmem:v9+s18+$0x0], $0xffff  }
0x146: {  	[tilespmem:s6+$0xFFFFFFD0] =	vst v5;
	v1 =	vld.idx.msk [tilespmem:v10+s18+$0x0], $0xffff  }
0x147: {  	[tilespmem:s6+$0xFFFFFFE0] =	vst v6;
	v2 =	vld.idx.msk [tilespmem:v11+s18+$0x0], $0xffff  }
0x148: {  	s11 =	sor.u32 $0x3, s4;
	[tilespmem:s6+$0xFFFFFFF0] =	vst v7;
	v3 =	vld.idx.msk [tilespmem:v12+s18+$0x0], $0xffff  }
0x149: {  	s4 =	sor.u32 s5, s11;
	s8 =	sshll.u32 s11, $0x4;
	[tilespmem:s6+$0xFFFFFF80] =	vst v15;
	v4 =	vld.idx.msk [tilespmem:v13+s18+$0x0], $0xffff  }
0x14a: {  	s9 =	simm.s32 $0x0;
	s8 =	sand.u32 $0x70, s8;
	s10 =	simm.s32 $0x180;
	[tilespmem:s6+$0x0] =	vst v8;
	v5 =	vld.idx.msk [tilespmem:v14+s18+$0x0], $0xffff  }
.LBB2_9:
0x14b: {  	v6 =	vld [tilespmem:s10+$0x70];
	s9 =	sadd.s32 $0x100, s9;
	[tilespmem:s6+$0x10] =	vst v0  }
0x14c: {  	v0 =	vld [tilespmem:s10+$0xFFFFFF90];
	p0 =	slt.u32 s9, $0xF00;
	[tilespmem:s6+$0x20] =	vst v1  }
0x14d: {  	v1 =	vld [tilespmem:s10+$0xFFFFFFA0];
	[tilespmem:s6+$0x30] =	vst v2  }
0x14e: {  	v2 =	vld [tilespmem:s10+$0xFFFFFFB0];
	[tilespmem:s6+$0x40] =	vst v3  }
0x14f: {  	v3 =	vld [tilespmem:s10+$0xFFFFFFC0];
	[tilespmem:s6+$0x50] =	vst v4  }
0x150: {  	v4 =	vld [tilespmem:s10+$0xFFFFFFD0];
	[tilespmem:s6+$0x60] =	vst v5  }
0x151: {  	v5 =	vld [tilespmem:s10+$0xFFFFFFE0]  }
0x152: {  	v7 =	vld [tilespmem:s10+$0xFFFFFFF0]  }
0x153: {  	v6 =	vld.idx.msk [tilespmem:v6+s18+$0x0], $0xffff  }
0x154: {  	v8 =	vld [tilespmem:s10+$0x0]  }
0x155: {  	v9 =	vld [tilespmem:s10+$0x10]  }
0x156: {  	v10 =	vld [tilespmem:s10+$0x20]  }
0x157: {  	v11 =	vld [tilespmem:s10+$0x30]  }
0x158: {  	s6 =	sadd.s32 $0x100, s6;
	v12 =	vld [tilespmem:s10+$0x40]  }
0x159: {  	v13 =	vld [tilespmem:s10+$0x50];
	[tilespmem:s6+$0x70] =	vst v6  }
0x15a: {  	v6 =	vld [tilespmem:s10+$0x60]  }
0x15b: {  	v14 =	vld [tilespmem:s10+$0xFFFFFF80]  }
0x15c: {  	v0 =	vld.idx.msk [tilespmem:v0+s18+$0x0], $0xffff  }
0x15d: {  	v1 =	vld.idx.msk [tilespmem:v1+s18+$0x0], $0xffff  }
0x15e: {  	v2 =	vld.idx.msk [tilespmem:v2+s18+$0x0], $0xffff  }
0x15f: {  	v3 =	vld.idx.msk [tilespmem:v3+s18+$0x0], $0xffff  }
0x160: {  	v4 =	vld.idx.msk [tilespmem:v4+s18+$0x0], $0xffff  }
0x161: {  	v5 =	vld.idx.msk [tilespmem:v5+s18+$0x0], $0xffff  }
0x162: {  	[tilespmem:s6+$0xFFFFFF90] =	vst v0;
	v7 =	vld.idx.msk [tilespmem:v7+s18+$0x0], $0xffff  }
0x163: {  	v14 =	vld.idx.msk [tilespmem:v14+s18+$0x0], $0xffff;
	[tilespmem:s6+$0xFFFFFFA0] =	vst v1  }
0x164: {  	[tilespmem:s6+$0xFFFFFFB0] =	vst v2;
	v8 =	vld.idx.msk [tilespmem:v8+s18+$0x0], $0xffff  }
0x165: {  	[tilespmem:s6+$0xFFFFFFC0] =	vst v3;
	v0 =	vld.idx.msk [tilespmem:v9+s18+$0x0], $0xffff  }
.Ltmp5:
0x166: {  	[tilespmem:s6+$0xFFFFFFD0] =	vst v4;
	v1 =	vld.idx.msk [tilespmem:v10+s18+$0x0], $0xffff;
	(pc) =	sbr.rel @p0 .LBB2_9-.Ltmp5, $4  }
0x167: {  	[tilespmem:s6+$0xFFFFFFE0] =	vst v5;
	v2 =	vld.idx.msk [tilespmem:v11+s18+$0x0], $0xffff  }
0x168: {  	[tilespmem:s6+$0xFFFFFFF0] =	vst v7;
	v3 =	vld.idx.msk [tilespmem:v12+s18+$0x0], $0xffff  }
0x169: {  	[tilespmem:s6+$0xFFFFFF80] =	vst v14;
	v4 =	vld.idx.msk [tilespmem:v13+s18+$0x0], $0xffff  }
0x16a: {  	s10 =	sadd.s32 $0x100, s10;
	[tilespmem:s6+$0x0] =	vst v8;
	v5 =	vld.idx.msk [tilespmem:v6+s18+$0x0], $0xffff  }
0x16b: {  	[tilespmem:s6+$0x10] =	vst v0  }
0x16c: {  	[tilespmem:s6+$0x20] =	vst v1  }
.Ltmp6:
0x16d: {  	[tilespmem:s6+$0x30] =	vst v2;
	(pc) =	sbr.rel @p1 .LBB2_12-.Ltmp6, $4  }
0x16e: {  	s9 =	sshll.u32 s4, $0x9;
	[tilespmem:s6+$0x40] =	vst v3  }
0x16f: {  	s8 =	sadd.s32 s2, s8;
	s9 =	sand.u32 $0xFF000, s9;
	[tilespmem:s6+$0x50] =	vst v4  }
0x170: {  	s11 =	sadd.s32 s9, s8;
	[tilespmem:s6+$0x60] =	vst v5  }
0x171: {  	[hbm4b:s11+s12] =	stream.strided.scatter [tilespmem:s26], [sflag:$0x8], $0x1000, s13, s12, $0x38;
	[tilespmem:$0x15000] =	vst v63  }
0x172: {  	s4 =	sadd.s32 $0x4, s4  }
.Ltmp7:
0x173: {  	s6 =	sshll.u32 s4, $0x4;
	(pc) =	sbr.rel .LBB2_2-.Ltmp7, $4  }
0x174: {  	s4 =	sshll.u32 s4, $0xB;
	s6 =	sand.u32 $0x70, s6  }
0x175: {  	s4 =	sand.u32 $0xFFFC000, s4;
	s6 =	sadd.s32 s1, s6  }
0x176: {  	s3 =	sadd.s32 $0x1, s3;
	s4 =	sadd.s32 s4, s6  }
0x177: {  	[tilespmem:s18], [sflag:$0x4] =	stream.strided.gather [hbm4b:s4+s12], $0x4000, s13, s12, $0x38;
	[tilespmem:$0x15000] =	vst v63  }
.LBB2_13:
0x178: {  	_ =	sfence.sel $0x180000  }
0x179: {  	[bflag:$0x0] =	sbarrier.arrive $0xFFFF  }
0x17a: {  	_ =	strace $0x90000047  }
0x17b: {  	s0 =	stileid.u32;
	[bflag:$0x2] =	sbarrier.arrive $0xFFFF  }
0x17c: {  	p0 =	sne.s32 s0, $0x0;
	s0 =	rddreg [dreg:$0x3]  }
0x17d: {  	s0 =	sadd.s32 @!p0 $0x100000, s0  }
0x17e: {  	[sflag:s0] =	ssyncadd.tile.s32 @!p0 $0x1;
	_ =	shalt  }
.Lfunc_end2:
_tile_overlayer_lowered:
.L_overlay_start_2:
0x17f: {  	(tag) =	ssettag $0x2  }
0x180: {  	s0 =	rddreg [dreg:$0x0];
	s2 =	stileid.u32  }
0x181: {  	s1 =	rddreg [dreg:$0x1];
	p0 =	sne.s32 s2, $0x0  }
0x182: {  	s3 =	rddreg [dreg:$0x2];
	[bflag:$0x3] =	sbarrier.arrive $0xFFFF;
	s2 =	simm.s32 @!p0 $0x1C09  }
0x183: {  	[timem:s3], [sflag:s2] =	dma.local @!p0 [hbm:s0], s1  }
0x184: {  	s0 =	simm.s32 @!p0 $0x9  }
0x185: {  	_ =	swait.ge @!p0 [sflag:s0], s1  }
0x186: {  	s1 =	ssub.s32 @!p0 $0x0, s1;
	[sflag:s0] =	ssyncset.done @!p0 $0x0  }
0x187: {  	[sflag:s0] =	ssyncadd.s32 @!p0 s1  }
0x188: {  	[bflag:$0x3] =	sbarrier.arrive $0xFFFF  }
0x189: {  	_ =	shalt  }

</sc_bundles>
